<compile_context>
chip_gen: v7x
topology: tpu7x:2x2x1
jax: 0.10.2.dev20260603
libtpu: 0.0.44.dev20260713+nightly
codegen_flags: <defaults>
</compile_context>

<pallas_src>
import functools

import jax
import jax.numpy as jnp
from jax import lax
from jax.experimental import pallas as pl
from jax.experimental.pallas import tpu as pltpu
from jax.experimental.pallas import tpu_sc as plsc

N = 10000
D = 128
OUT = 128
PW = D // 2
NC = 2
NS = 16
L = 16
NW = NC * NS
B = 64
NPAD = 10112


def _sc_agg(nblk):
    mesh = plsc.VectorSubcoreMesh(core_axis_name="c", subcore_axis_name="s")

    @functools.partial(
        pl.kernel,
        out_type=jax.ShapeDtypeStruct((NC, NPAD, D), jnp.float32),
        mesh=mesh,
        scratch_types=[
            pltpu.VMEM((nblk, B), jnp.int32),
            pltpu.VMEM((nblk, B), jnp.int32),
            pltpu.VMEM((nblk, B), jnp.float32),
            pltpu.VMEM((B, PW), jnp.int32),
            pltpu.VMEM((B, PW), jnp.int32),
            pltpu.VMEM((B, D), jnp.float32),
            pltpu.VMEM_SHARED((NPAD, D), jnp.float32),
            pltpu.SemaphoreType.DMA,
            pltpu.SemaphoreType.DMA,
        ],
        compiler_params=pltpu.CompilerParams(
            use_tc_tiling_on_sc=False, needs_layout_passes=False),
    )
    def agg(nf_hbm, src_hbm, dst_hbm, w_hbm, out_hbm,
            src_v, dst_v, w_v, rows0, rows1, scaled, acc, sem0, sem1):
        c = lax.axis_index("c")
        s = lax.axis_index("s")
        wid = s * NC + c

        pltpu.sync_copy(src_hbm.at[wid], src_v)
        pltpu.sync_copy(dst_hbm.at[wid], dst_v)
        pltpu.sync_copy(w_hbm.at[wid], w_v)

        def zrow(i, _):
            for j in range(D // L):
                scaled[i, pl.ds(j * L, L)] = jnp.zeros((L,), jnp.float32)
            return 0
        lax.fori_loop(0, B, zrow, 0)
        stripe = NPAD // NS
        base = s * stripe
        for t in range(stripe // B):
            pltpu.sync_copy(scaled, acc.at[pl.ds(base + t * B, B)])
        rem = stripe - (stripe // B) * B
        if rem:
            pltpu.sync_copy(scaled.at[pl.ds(0, rem)],
                            acc.at[pl.ds(base + stripe - rem, rem)])
        plsc.subcore_barrier()

        pltpu.async_copy(nf_hbm.at[src_v.at[0]], rows0, sem0)
        pltpu.async_copy(nf_hbm.at[src_v.at[1]], rows1, sem1)

        def half_step(blk, rows, sem):
            pltpu.make_async_copy(
                nf_hbm.at[src_v.at[blk]], rows, sem).wait()

            @plsc.parallel_loop(0, B, step=1, unroll=8)
            def _(e):
                gbase = (e // L) * L
                wg = w_v[blk, pl.ds(gbase, L)]
                lane = e - gbase
                wv = wg.at[jnp.full((L,), lane, jnp.int32)].get(
                    mode='promise_in_bounds')
                for j in range(D // (2 * L)):
                    pk = rows[e, pl.ds(j * L, L)]
                    a = plsc.bitcast(pk << 16, jnp.float32)
                    bb = plsc.bitcast(pk & jnp.int32(-65536), jnp.float32)
                    scaled[e, pl.ds(j * 2 * L, L)] = a * wv
                    scaled[e, pl.ds(j * 2 * L + L, L)] = bb * wv

            @pl.when(blk + 2 < nblk)
            def _():
                pltpu.async_copy(nf_hbm.at[src_v.at[blk + 2]], rows, sem)

            pltpu.sync_copy(scaled, acc.at[dst_v.at[blk]], add=True)

        def blk_body(o, _):
            half_step(o * 2, rows0, sem0)
            half_step(o * 2 + 1, rows1, sem1)
            return 0
        lax.fori_loop(0, nblk // 2, blk_body, 0)

        plsc.subcore_barrier()
        pltpu.sync_copy(acc.at[pl.ds(base, stripe)],
                        out_hbm.at[c, pl.ds(base, stripe)])

    return agg


def _combine_body(p_ref, w_ref, b_ref, o_ref):
    p = p_ref[0, :, :] + p_ref[1, :, :]
    o_ref[...] = (
        jnp.dot(p, w_ref[...], preferred_element_type=jnp.float32)
        + b_ref[...]
    )


@jax.jit
def kernel(node_features, edge_index, edge_weight, W, b):
    E = edge_weight.shape[0]
    nblk = -(-(-(-E // NW)) // B)
    nblk = -(-nblk // 2) * 2
    epw = nblk * B
    pad = epw * NW - E

    src = jnp.pad(edge_index[1], (0, pad))
    dst = jnp.pad(edge_index[0], (0, pad))
    w = jnp.pad(edge_weight, (0, pad))

    srcb = src.reshape(NW, nblk, B)
    dstb = dst.reshape(NW, nblk, B)
    wb = w.reshape(NW, nblk, B)

    nfb = node_features.astype(jnp.bfloat16)
    nfb = nfb.reshape(N, D // 32, 2, L).transpose(0, 1, 3, 2)
    nfp = lax.bitcast_convert_type(nfb, jnp.int32).reshape(N, PW)

    partials = _sc_agg(nblk)(nfp, srcb, dstb, wb)

    BM = 1000
    out = pl.pallas_call(
        _combine_body,
        grid=(N // BM,),
        in_specs=[
            pl.BlockSpec((NC, BM, D), lambda i: (0, i, 0)),
            pl.BlockSpec((D, OUT), lambda i: (0, 0)),
            pl.BlockSpec((1, OUT), lambda i: (0, 0)),
        ],
        out_specs=pl.BlockSpec((BM, OUT), lambda i: (i, 0)),
        out_shape=jax.ShapeDtypeStruct((N, OUT), jnp.float32),
    )(partials, W, b.reshape(1, OUT))
    return out

# --- scband reference (transcript-rebuilt; emitter-appended) ---
"""Pipeline reference for scband-gcnlayer-85143431676227 (READ-ONLY COPY).

The authoritative reference and input builder live on the scoring server;
editing this copy changes nothing except your own understanding.
"""

import jax, jax.numpy as jnp
import numpy as np

N = 10000
E = 320000
D = 128
OUT = 128

def setup_inputs(seed: int = 0) -> dict:
    key = jax.random.key(seed)
    k1, k2, k3, k4, k5 = jax.random.split(key, 5)
    node_features = jax.random.normal(k1, (N, D), dtype=jnp.float32)
    edge_index = jax.random.randint(k2, (2, E), 0, N, dtype=jnp.int32)
    edge_weight = jax.random.uniform(k3, (E,), dtype=jnp.float32)
    # Dense layer params (glorot-uniform-ish init)
    limit = float(np.sqrt(6.0 / (D + OUT)))
    W = jax.random.uniform(k4, (D, OUT), minval=-limit, maxval=limit, dtype=jnp.float32)
    b = jnp.zeros((OUT,), dtype=jnp.float32)
    return {"node_features": node_features, "edge_index": edge_index, "edge_weight": edge_weight, "W": W, "b": b}

def reference(node_features, edge_index, edge_weight, W, b):
    # tf.sparse.sparse_dense_matmul(A, X): out[i] = sum_j A[i, j] * X[j]
    # sparse A given in COO form: row0 = dst (i), row1 = src (j), values = edge_weight
    dst = edge_index[0]
    src = edge_index[1]
    msgs = edge_weight[:, None] * jnp.take(node_features, src, axis=0)
    aggregated = jax.ops.segment_sum(msgs, dst, num_segments=N)
    # Dense layer
    return aggregated @ W + b

if __name__ == "__main__":
    import jax
    _d = setup_inputs()
    print(jax.jit(kernel)(*tuple(_d.values())))

</pallas_src>

<mosaic_0001>
#map = affine_map<(d0, d1) -> (0, 0)>
#map1 = affine_map<(d0, d1) -> (0, 0, 0)>
module attributes {stable_mosaic.version = 14 : i64} {
  func.func @agg(%arg0: i32, %arg1: i32, %arg2: memref<10000x64xi32, #tpu.memory_space<hbm>>, %arg3: memref<32x158x64xi32, #tpu.memory_space<hbm>>, %arg4: memref<32x158x64xi32, #tpu.memory_space<hbm>>, %arg5: memref<32x158x64xf32, #tpu.memory_space<hbm>>, %arg6: memref<2x10112x128xf32, #tpu.memory_space<hbm>>, %arg7: memref<158x64xi32, #tpu.memory_space<vmem>>, %arg8: memref<158x64xi32, #tpu.memory_space<vmem>>, %arg9: memref<158x64xf32, #tpu.memory_space<vmem>>, %arg10: memref<64x64xi32, #tpu.memory_space<vmem>>, %arg11: memref<64x64xi32, #tpu.memory_space<vmem>>, %arg12: memref<64x128xf32, #tpu.memory_space<vmem>>, %arg13: memref<10112x128xf32, #tpu.memory_space<vmem_shared>>, %arg14: memref<!tpu.dma_semaphore, #tpu.memory_space<semaphore_mem>>, %arg15: memref<!tpu.dma_semaphore, #tpu.memory_space<semaphore_mem>>) attributes {dimension_semantics = [#tpu.dimension_semantics<core_parallel>, #tpu.dimension_semantics<subcore_parallel>], iteration_bounds = array<i64: 2, 16>, scalar_prefetch = 0 : i64, scratch_operands = 9 : i64, tpu.core_type = #tpu.core_type<sc_vector_subcore>, window_params = [{transform_indices = #map}, {transform_indices = #map1}, {transform_indices = #map1}, {transform_indices = #map1}, {transform_indices = #map1}]} {
    %mul3A = arith.constant 2 : i32
    %mul3A_0 = arith.muli %arg1, %mul3A : i32
    %add3A = arith.addi %mul3A_0, %arg0 : i32
    "tpu.region"() ({
      %run_scoped3A = tpu.sem_alloc : memref<!tpu.dma_semaphore, #tpu.memory_space<semaphore_mem>>
      %dma_start3A_51 = arith.constant 0 : i32
      %dma_start3A_52 = arith.constant 0 : i32
      %dma_start3A_53 = tpu.memref_slice %arg3[%add3A, %dma_start3A_51, %dma_start3A_52] : memref<32x158x64xi32, #tpu.memory_space<hbm>> -> memref<1x158x64xi32, #tpu.memory_space<hbm>>
      %dma_start3A_54 = tpu.memref_squeeze %dma_start3A_53 : memref<1x158x64xi32, #tpu.memory_space<hbm>> -> memref<158x64xi32, #tpu.memory_space<hbm>>
      %dma_start3A_55 = arith.constant 0 : i32
      %dma_start3A_56 = arith.constant 0 : i32
      %dma_start3A_57 = tpu.memref_slice %arg3[%add3A, %dma_start3A_55, %dma_start3A_56] : memref<32x158x64xi32, #tpu.memory_space<hbm>> -> memref<1x158x64xi32, #tpu.memory_space<hbm>>
      %dma_start3A_58 = tpu.memref_squeeze %dma_start3A_57 : memref<1x158x64xi32, #tpu.memory_space<hbm>> -> memref<158x64xi32, #tpu.memory_space<hbm>>
      tpu.enqueue_dma source(%dma_start3A_58 : memref<158x64xi32, #tpu.memory_space<hbm>>) target(%arg7 : memref<158x64xi32, #tpu.memory_space<vmem>>) target_semaphore(%run_scoped3A : memref<!tpu.dma_semaphore, #tpu.memory_space<semaphore_mem>>)
      %dma_wait3A = arith.constant 0 : i32
      %dma_wait3A_59 = arith.constant 0 : i32
      %dma_wait3A_60 = tpu.memref_slice %arg3[%add3A, %dma_wait3A, %dma_wait3A_59] : memref<32x158x64xi32, #tpu.memory_space<hbm>> -> memref<1x158x64xi32, #tpu.memory_space<hbm>>
      %dma_wait3A_61 = tpu.memref_squeeze %dma_wait3A_60 : memref<1x158x64xi32, #tpu.memory_space<hbm>> -> memref<158x64xi32, #tpu.memory_space<hbm>>
      %dma_wait3A_62 = arith.constant 0 : i32
      %dma_wait3A_63 = arith.constant 0 : i32
      %dma_wait3A_64 = tpu.memref_slice %arg3[%add3A, %dma_wait3A_62, %dma_wait3A_63] : memref<32x158x64xi32, #tpu.memory_space<hbm>> -> memref<1x158x64xi32, #tpu.memory_space<hbm>>
      %dma_wait3A_65 = tpu.memref_squeeze %dma_wait3A_64 : memref<1x158x64xi32, #tpu.memory_space<hbm>> -> memref<158x64xi32, #tpu.memory_space<hbm>>
      tpu.wait_dma2 semaphore(%run_scoped3A : memref<!tpu.dma_semaphore, #tpu.memory_space<semaphore_mem>>) src(%dma_wait3A_65 : memref<158x64xi32, #tpu.memory_space<hbm>>) dst(%arg7 : memref<158x64xi32, #tpu.memory_space<vmem>>)
      tpu.yield
    }) : () -> ()
    "tpu.region"() ({
      %run_scoped3A = tpu.sem_alloc : memref<!tpu.dma_semaphore, #tpu.memory_space<semaphore_mem>>
      %dma_start3A_51 = arith.constant 0 : i32
      %dma_start3A_52 = arith.constant 0 : i32
      %dma_start3A_53 = tpu.memref_slice %arg4[%add3A, %dma_start3A_51, %dma_start3A_52] : memref<32x158x64xi32, #tpu.memory_space<hbm>> -> memref<1x158x64xi32, #tpu.memory_space<hbm>>
      %dma_start3A_54 = tpu.memref_squeeze %dma_start3A_53 : memref<1x158x64xi32, #tpu.memory_space<hbm>> -> memref<158x64xi32, #tpu.memory_space<hbm>>
      %dma_start3A_55 = arith.constant 0 : i32
      %dma_start3A_56 = arith.constant 0 : i32
      %dma_start3A_57 = tpu.memref_slice %arg4[%add3A, %dma_start3A_55, %dma_start3A_56] : memref<32x158x64xi32, #tpu.memory_space<hbm>> -> memref<1x158x64xi32, #tpu.memory_space<hbm>>
      %dma_start3A_58 = tpu.memref_squeeze %dma_start3A_57 : memref<1x158x64xi32, #tpu.memory_space<hbm>> -> memref<158x64xi32, #tpu.memory_space<hbm>>
      tpu.enqueue_dma source(%dma_start3A_58 : memref<158x64xi32, #tpu.memory_space<hbm>>) target(%arg8 : memref<158x64xi32, #tpu.memory_space<vmem>>) target_semaphore(%run_scoped3A : memref<!tpu.dma_semaphore, #tpu.memory_space<semaphore_mem>>)
      %dma_wait3A = arith.constant 0 : i32
      %dma_wait3A_59 = arith.constant 0 : i32
      %dma_wait3A_60 = tpu.memref_slice %arg4[%add3A, %dma_wait3A, %dma_wait3A_59] : memref<32x158x64xi32, #tpu.memory_space<hbm>> -> memref<1x158x64xi32, #tpu.memory_space<hbm>>
      %dma_wait3A_61 = tpu.memref_squeeze %dma_wait3A_60 : memref<1x158x64xi32, #tpu.memory_space<hbm>> -> memref<158x64xi32, #tpu.memory_space<hbm>>
      %dma_wait3A_62 = arith.constant 0 : i32
      %dma_wait3A_63 = arith.constant 0 : i32
      %dma_wait3A_64 = tpu.memref_slice %arg4[%add3A, %dma_wait3A_62, %dma_wait3A_63] : memref<32x158x64xi32, #tpu.memory_space<hbm>> -> memref<1x158x64xi32, #tpu.memory_space<hbm>>
      %dma_wait3A_65 = tpu.memref_squeeze %dma_wait3A_64 : memref<1x158x64xi32, #tpu.memory_space<hbm>> -> memref<158x64xi32, #tpu.memory_space<hbm>>
      tpu.wait_dma2 semaphore(%run_scoped3A : memref<!tpu.dma_semaphore, #tpu.memory_space<semaphore_mem>>) src(%dma_wait3A_65 : memref<158x64xi32, #tpu.memory_space<hbm>>) dst(%arg8 : memref<158x64xi32, #tpu.memory_space<vmem>>)
      tpu.yield
    }) : () -> ()
    "tpu.region"() ({
      %run_scoped3A = tpu.sem_alloc : memref<!tpu.dma_semaphore, #tpu.memory_space<semaphore_mem>>
      %dma_start3A_51 = arith.constant 0 : i32
      %dma_start3A_52 = arith.constant 0 : i32
      %dma_start3A_53 = tpu.memref_slice %arg5[%add3A, %dma_start3A_51, %dma_start3A_52] : memref<32x158x64xf32, #tpu.memory_space<hbm>> -> memref<1x158x64xf32, #tpu.memory_space<hbm>>
      %dma_start3A_54 = tpu.memref_squeeze %dma_start3A_53 : memref<1x158x64xf32, #tpu.memory_space<hbm>> -> memref<158x64xf32, #tpu.memory_space<hbm>>
      %dma_start3A_55 = arith.constant 0 : i32
      %dma_start3A_56 = arith.constant 0 : i32
      %dma_start3A_57 = tpu.memref_slice %arg5[%add3A, %dma_start3A_55, %dma_start3A_56] : memref<32x158x64xf32, #tpu.memory_space<hbm>> -> memref<1x158x64xf32, #tpu.memory_space<hbm>>
      %dma_start3A_58 = tpu.memref_squeeze %dma_start3A_57 : memref<1x158x64xf32, #tpu.memory_space<hbm>> -> memref<158x64xf32, #tpu.memory_space<hbm>>
      tpu.enqueue_dma source(%dma_start3A_58 : memref<158x64xf32, #tpu.memory_space<hbm>>) target(%arg9 : memref<158x64xf32, #tpu.memory_space<vmem>>) target_semaphore(%run_scoped3A : memref<!tpu.dma_semaphore, #tpu.memory_space<semaphore_mem>>)
      %dma_wait3A = arith.constant 0 : i32
      %dma_wait3A_59 = arith.constant 0 : i32
      %dma_wait3A_60 = tpu.memref_slice %arg5[%add3A, %dma_wait3A, %dma_wait3A_59] : memref<32x158x64xf32, #tpu.memory_space<hbm>> -> memref<1x158x64xf32, #tpu.memory_space<hbm>>
      %dma_wait3A_61 = tpu.memref_squeeze %dma_wait3A_60 : memref<1x158x64xf32, #tpu.memory_space<hbm>> -> memref<158x64xf32, #tpu.memory_space<hbm>>
      %dma_wait3A_62 = arith.constant 0 : i32
      %dma_wait3A_63 = arith.constant 0 : i32
      %dma_wait3A_64 = tpu.memref_slice %arg5[%add3A, %dma_wait3A_62, %dma_wait3A_63] : memref<32x158x64xf32, #tpu.memory_space<hbm>> -> memref<1x158x64xf32, #tpu.memory_space<hbm>>
      %dma_wait3A_65 = tpu.memref_squeeze %dma_wait3A_64 : memref<1x158x64xf32, #tpu.memory_space<hbm>> -> memref<158x64xf32, #tpu.memory_space<hbm>>
      tpu.wait_dma2 semaphore(%run_scoped3A : memref<!tpu.dma_semaphore, #tpu.memory_space<semaphore_mem>>) src(%dma_wait3A_65 : memref<158x64xf32, #tpu.memory_space<hbm>>) dst(%arg9 : memref<158x64xf32, #tpu.memory_space<vmem>>)
      tpu.yield
    }) : () -> ()
    %scan3A = arith.constant 0 : i32
    %scan3A_1 = arith.constant 0 : i32
    %scan3A_2 = arith.constant 64 : i32
    %scan3A_3 = arith.addi %scan3A_1, %scan3A_2 : i32
    %scan3A_4 = arith.constant 1 : i32
    %scan3A_5 = scf.for %scan3A_51 = %scan3A_1 to %scan3A_3 step %scan3A_4 iter_args(%scan3A_52 = %scan3A) -> (i32)  : i32 {
      %broadcast_in_dim3A = arith.constant 0.000000e+00 : f32
      %broadcast_in_dim3A_53 = vector.broadcast %broadcast_in_dim3A : f32 to vector<16xf32>
      %swap3A = arith.index_cast %scan3A_51 : i32 to index
      %swap3A_54 = arith.constant 0 : index
      %swap3A_55 = tpu.vector_load %arg12[%swap3A, %swap3A_54] {strides = array<i32>} : memref<64x128xf32, #tpu.memory_space<vmem>>, vector<16xf32>,
      tpu.vector_store %arg12[%swap3A, %swap3A_54], %broadcast_in_dim3A_53 {strides = array<i32>} : memref<64x128xf32, #tpu.memory_space<vmem>>, vector<16xf32>,
      %broadcast_in_dim3A_56 = arith.constant 0.000000e+00 : f32
      %broadcast_in_dim3A_57 = vector.broadcast %broadcast_in_dim3A_56 : f32 to vector<16xf32>
      %swap3A_58 = arith.index_cast %scan3A_51 : i32 to index
      %swap3A_59 = arith.constant 16 : index
      %swap3A_60 = tpu.vector_load %arg12[%swap3A_58, %swap3A_59] {strides = array<i32>} : memref<64x128xf32, #tpu.memory_space<vmem>>, vector<16xf32>,
      tpu.vector_store %arg12[%swap3A_58, %swap3A_59], %broadcast_in_dim3A_57 {strides = array<i32>} : memref<64x128xf32, #tpu.memory_space<vmem>>, vector<16xf32>,
      %broadcast_in_dim3A_61 = arith.constant 0.000000e+00 : f32
      %broadcast_in_dim3A_62 = vector.broadcast %broadcast_in_dim3A_61 : f32 to vector<16xf32>
      %swap3A_63 = arith.index_cast %scan3A_51 : i32 to index
      %swap3A_64 = arith.constant 32 : index
      %swap3A_65 = tpu.vector_load %arg12[%swap3A_63, %swap3A_64] {strides = array<i32>} : memref<64x128xf32, #tpu.memory_space<vmem>>, vector<16xf32>,
      tpu.vector_store %arg12[%swap3A_63, %swap3A_64], %broadcast_in_dim3A_62 {strides = array<i32>} : memref<64x128xf32, #tpu.memory_space<vmem>>, vector<16xf32>,
      %broadcast_in_dim3A_66 = arith.constant 0.000000e+00 : f32
      %broadcast_in_dim3A_67 = vector.broadcast %broadcast_in_dim3A_66 : f32 to vector<16xf32>
      %swap3A_68 = arith.index_cast %scan3A_51 : i32 to index
      %swap3A_69 = arith.constant 48 : index
      %swap3A_70 = tpu.vector_load %arg12[%swap3A_68, %swap3A_69] {strides = array<i32>} : memref<64x128xf32, #tpu.memory_space<vmem>>, vector<16xf32>,
      tpu.vector_store %arg12[%swap3A_68, %swap3A_69], %broadcast_in_dim3A_67 {strides = array<i32>} : memref<64x128xf32, #tpu.memory_space<vmem>>, vector<16xf32>,
      %broadcast_in_dim3A_71 = arith.constant 0.000000e+00 : f32
      %broadcast_in_dim3A_72 = vector.broadcast %broadcast_in_dim3A_71 : f32 to vector<16xf32>
      %swap3A_73 = arith.index_cast %scan3A_51 : i32 to index
      %swap3A_74 = arith.constant 64 : index
      %swap3A_75 = tpu.vector_load %arg12[%swap3A_73, %swap3A_74] {strides = array<i32>} : memref<64x128xf32, #tpu.memory_space<vmem>>, vector<16xf32>,
      tpu.vector_store %arg12[%swap3A_73, %swap3A_74], %broadcast_in_dim3A_72 {strides = array<i32>} : memref<64x128xf32, #tpu.memory_space<vmem>>, vector<16xf32>,
      %broadcast_in_dim3A_76 = arith.constant 0.000000e+00 : f32
      %broadcast_in_dim3A_77 = vector.broadcast %broadcast_in_dim3A_76 : f32 to vector<16xf32>
      %swap3A_78 = arith.index_cast %scan3A_51 : i32 to index
      %swap3A_79 = arith.constant 80 : index
      %swap3A_80 = tpu.vector_load %arg12[%swap3A_78, %swap3A_79] {strides = array<i32>} : memref<64x128xf32, #tpu.memory_space<vmem>>, vector<16xf32>,
      tpu.vector_store %arg12[%swap3A_78, %swap3A_79], %broadcast_in_dim3A_77 {strides = array<i32>} : memref<64x128xf32, #tpu.memory_space<vmem>>, vector<16xf32>,
      %broadcast_in_dim3A_81 = arith.constant 0.000000e+00 : f32
      %broadcast_in_dim3A_82 = vector.broadcast %broadcast_in_dim3A_81 : f32 to vector<16xf32>
      %swap3A_83 = arith.index_cast %scan3A_51 : i32 to index
      %swap3A_84 = arith.constant 96 : index
      %swap3A_85 = tpu.vector_load %arg12[%swap3A_83, %swap3A_84] {strides = array<i32>} : memref<64x128xf32, #tpu.memory_space<vmem>>, vector<16xf32>,
      tpu.vector_store %arg12[%swap3A_83, %swap3A_84], %broadcast_in_dim3A_82 {strides = array<i32>} : memref<64x128xf32, #tpu.memory_space<vmem>>, vector<16xf32>,
      %broadcast_in_dim3A_86 = arith.constant 0.000000e+00 : f32
      %broadcast_in_dim3A_87 = vector.broadcast %broadcast_in_dim3A_86 : f32 to vector<16xf32>
      %swap3A_88 = arith.index_cast %scan3A_51 : i32 to index
      %swap3A_89 = arith.constant 112 : index
      %swap3A_90 = tpu.vector_load %arg12[%swap3A_88, %swap3A_89] {strides = array<i32>} : memref<64x128xf32, #tpu.memory_space<vmem>>, vector<16xf32>,
      tpu.vector_store %arg12[%swap3A_88, %swap3A_89], %broadcast_in_dim3A_87 {strides = array<i32>} : memref<64x128xf32, #tpu.memory_space<vmem>>, vector<16xf32>,
      %scan3A_91 = arith.constant 0 : i32
      scf.yield %scan3A_91 : i32
    }
    %scan3A_6 = arith.constant 64 : i32
    %mul3A_7 = arith.constant 632 : i32
    %mul3A_8 = arith.muli %arg1, %mul3A_7 : i32
    %add3A_9 = arith.constant 0 : i32
    %add3A_10 = arith.addi %mul3A_8, %add3A_9 : i32
    "tpu.region"() ({
      %run_scoped3A = tpu.sem_alloc : memref<!tpu.dma_semaphore, #tpu.memory_space<semaphore_mem>>
      %dma_start3A_51 = arith.constant 0 : i32
      %dma_start3A_52 = tpu.memref_slice %arg13[%add3A_10, %dma_start3A_51] : memref<10112x128xf32, #tpu.memory_space<vmem_shared>> -> memref<64x128xf32, #tpu.memory_space<vmem_shared>>
      %dma_start3A_53 = arith.constant 0 : i32
      %dma_start3A_54 = tpu.memref_slice %arg13[%add3A_10, %dma_start3A_53] : memref<10112x128xf32, #tpu.memory_space<vmem_shared>> -> memref<64x128xf32, #tpu.memory_space<vmem_shared>>
      tpu.enqueue_dma source(%arg12 : memref<64x128xf32, #tpu.memory_space<vmem>>) target(%dma_start3A_54 : memref<64x128xf32, #tpu.memory_space<vmem_shared>>) target_semaphore(%run_scoped3A : memref<!tpu.dma_semaphore, #tpu.memory_space<semaphore_mem>>)
      %dma_wait3A = arith.constant 0 : i32
      %dma_wait3A_55 = tpu.memref_slice %arg13[%add3A_10, %dma_wait3A] : memref<10112x128xf32, #tpu.memory_space<vmem_shared>> -> memref<64x128xf32, #tpu.memory_space<vmem_shared>>
      %dma_wait3A_56 = arith.constant 0 : i32
      %dma_wait3A_57 = tpu.memref_slice %arg13[%add3A_10, %dma_wait3A_56] : memref<10112x128xf32, #tpu.memory_space<vmem_shared>> -> memref<64x128xf32, #tpu.memory_space<vmem_shared>>
      tpu.wait_dma2 semaphore(%run_scoped3A : memref<!tpu.dma_semaphore, #tpu.memory_space<semaphore_mem>>) src(%arg12 : memref<64x128xf32, #tpu.memory_space<vmem>>) dst(%dma_wait3A_57 : memref<64x128xf32, #tpu.memory_space<vmem_shared>>)
      tpu.yield
    }) : () -> ()
    %add3A_11 = arith.constant 64 : i32
    %add3A_12 = arith.addi %mul3A_8, %add3A_11 : i32
    "tpu.region"() ({
      %run_scoped3A = tpu.sem_alloc : memref<!tpu.dma_semaphore, #tpu.memory_space<semaphore_mem>>
      %dma_start3A_51 = arith.constant 0 : i32
      %dma_start3A_52 = tpu.memref_slice %arg13[%add3A_12, %dma_start3A_51] : memref<10112x128xf32, #tpu.memory_space<vmem_shared>> -> memref<64x128xf32, #tpu.memory_space<vmem_shared>>
      %dma_start3A_53 = arith.constant 0 : i32
      %dma_start3A_54 = tpu.memref_slice %arg13[%add3A_12, %dma_start3A_53] : memref<10112x128xf32, #tpu.memory_space<vmem_shared>> -> memref<64x128xf32, #tpu.memory_space<vmem_shared>>
      tpu.enqueue_dma source(%arg12 : memref<64x128xf32, #tpu.memory_space<vmem>>) target(%dma_start3A_54 : memref<64x128xf32, #tpu.memory_space<vmem_shared>>) target_semaphore(%run_scoped3A : memref<!tpu.dma_semaphore, #tpu.memory_space<semaphore_mem>>)
      %dma_wait3A = arith.constant 0 : i32
      %dma_wait3A_55 = tpu.memref_slice %arg13[%add3A_12, %dma_wait3A] : memref<10112x128xf32, #tpu.memory_space<vmem_shared>> -> memref<64x128xf32, #tpu.memory_space<vmem_shared>>
      %dma_wait3A_56 = arith.constant 0 : i32
      %dma_wait3A_57 = tpu.memref_slice %arg13[%add3A_12, %dma_wait3A_56] : memref<10112x128xf32, #tpu.memory_space<vmem_shared>> -> memref<64x128xf32, #tpu.memory_space<vmem_shared>>
      tpu.wait_dma2 semaphore(%run_scoped3A : memref<!tpu.dma_semaphore, #tpu.memory_space<semaphore_mem>>) src(%arg12 : memref<64x128xf32, #tpu.memory_space<vmem>>) dst(%dma_wait3A_57 : memref<64x128xf32, #tpu.memory_space<vmem_shared>>)
      tpu.yield
    }) : () -> ()
    %add3A_13 = arith.constant 128 : i32
    %add3A_14 = arith.addi %mul3A_8, %add3A_13 : i32
    "tpu.region"() ({
      %run_scoped3A = tpu.sem_alloc : memref<!tpu.dma_semaphore, #tpu.memory_space<semaphore_mem>>
      %dma_start3A_51 = arith.constant 0 : i32
      %dma_start3A_52 = tpu.memref_slice %arg13[%add3A_14, %dma_start3A_51] : memref<10112x128xf32, #tpu.memory_space<vmem_shared>> -> memref<64x128xf32, #tpu.memory_space<vmem_shared>>
      %dma_start3A_53 = arith.constant 0 : i32
      %dma_start3A_54 = tpu.memref_slice %arg13[%add3A_14, %dma_start3A_53] : memref<10112x128xf32, #tpu.memory_space<vmem_shared>> -> memref<64x128xf32, #tpu.memory_space<vmem_shared>>
      tpu.enqueue_dma source(%arg12 : memref<64x128xf32, #tpu.memory_space<vmem>>) target(%dma_start3A_54 : memref<64x128xf32, #tpu.memory_space<vmem_shared>>) target_semaphore(%run_scoped3A : memref<!tpu.dma_semaphore, #tpu.memory_space<semaphore_mem>>)
      %dma_wait3A = arith.constant 0 : i32
      %dma_wait3A_55 = tpu.memref_slice %arg13[%add3A_14, %dma_wait3A] : memref<10112x128xf32, #tpu.memory_space<vmem_shared>> -> memref<64x128xf32, #tpu.memory_space<vmem_shared>>
      %dma_wait3A_56 = arith.constant 0 : i32
      %dma_wait3A_57 = tpu.memref_slice %arg13[%add3A_14, %dma_wait3A_56] : memref<10112x128xf32, #tpu.memory_space<vmem_shared>> -> memref<64x128xf32, #tpu.memory_space<vmem_shared>>
      tpu.wait_dma2 semaphore(%run_scoped3A : memref<!tpu.dma_semaphore, #tpu.memory_space<semaphore_mem>>) src(%arg12 : memref<64x128xf32, #tpu.memory_space<vmem>>) dst(%dma_wait3A_57 : memref<64x128xf32, #tpu.memory_space<vmem_shared>>)
      tpu.yield
    }) : () -> ()
    %add3A_15 = arith.constant 192 : i32
    %add3A_16 = arith.addi %mul3A_8, %add3A_15 : i32
    "tpu.region"() ({
      %run_scoped3A = tpu.sem_alloc : memref<!tpu.dma_semaphore, #tpu.memory_space<semaphore_mem>>
      %dma_start3A_51 = arith.constant 0 : i32
      %dma_start3A_52 = tpu.memref_slice %arg13[%add3A_16, %dma_start3A_51] : memref<10112x128xf32, #tpu.memory_space<vmem_shared>> -> memref<64x128xf32, #tpu.memory_space<vmem_shared>>
      %dma_start3A_53 = arith.constant 0 : i32
      %dma_start3A_54 = tpu.memref_slice %arg13[%add3A_16, %dma_start3A_53] : memref<10112x128xf32, #tpu.memory_space<vmem_shared>> -> memref<64x128xf32, #tpu.memory_space<vmem_shared>>
      tpu.enqueue_dma source(%arg12 : memref<64x128xf32, #tpu.memory_space<vmem>>) target(%dma_start3A_54 : memref<64x128xf32, #tpu.memory_space<vmem_shared>>) target_semaphore(%run_scoped3A : memref<!tpu.dma_semaphore, #tpu.memory_space<semaphore_mem>>)
      %dma_wait3A = arith.constant 0 : i32
      %dma_wait3A_55 = tpu.memref_slice %arg13[%add3A_16, %dma_wait3A] : memref<10112x128xf32, #tpu.memory_space<vmem_shared>> -> memref<64x128xf32, #tpu.memory_space<vmem_shared>>
      %dma_wait3A_56 = arith.constant 0 : i32
      %dma_wait3A_57 = tpu.memref_slice %arg13[%add3A_16, %dma_wait3A_56] : memref<10112x128xf32, #tpu.memory_space<vmem_shared>> -> memref<64x128xf32, #tpu.memory_space<vmem_shared>>
      tpu.wait_dma2 semaphore(%run_scoped3A : memref<!tpu.dma_semaphore, #tpu.memory_space<semaphore_mem>>) src(%arg12 : memref<64x128xf32, #tpu.memory_space<vmem>>) dst(%dma_wait3A_57 : memref<64x128xf32, #tpu.memory_space<vmem_shared>>)
      tpu.yield
    }) : () -> ()
    %add3A_17 = arith.constant 256 : i32
    %add3A_18 = arith.addi %mul3A_8, %add3A_17 : i32
    "tpu.region"() ({
      %run_scoped3A = tpu.sem_alloc : memref<!tpu.dma_semaphore, #tpu.memory_space<semaphore_mem>>
      %dma_start3A_51 = arith.constant 0 : i32
      %dma_start3A_52 = tpu.memref_slice %arg13[%add3A_18, %dma_start3A_51] : memref<10112x128xf32, #tpu.memory_space<vmem_shared>> -> memref<64x128xf32, #tpu.memory_space<vmem_shared>>
      %dma_start3A_53 = arith.constant 0 : i32
      %dma_start3A_54 = tpu.memref_slice %arg13[%add3A_18, %dma_start3A_53] : memref<10112x128xf32, #tpu.memory_space<vmem_shared>> -> memref<64x128xf32, #tpu.memory_space<vmem_shared>>
      tpu.enqueue_dma source(%arg12 : memref<64x128xf32, #tpu.memory_space<vmem>>) target(%dma_start3A_54 : memref<64x128xf32, #tpu.memory_space<vmem_shared>>) target_semaphore(%run_scoped3A : memref<!tpu.dma_semaphore, #tpu.memory_space<semaphore_mem>>)
      %dma_wait3A = arith.constant 0 : i32
      %dma_wait3A_55 = tpu.memref_slice %arg13[%add3A_18, %dma_wait3A] : memref<10112x128xf32, #tpu.memory_space<vmem_shared>> -> memref<64x128xf32, #tpu.memory_space<vmem_shared>>
      %dma_wait3A_56 = arith.constant 0 : i32
      %dma_wait3A_57 = tpu.memref_slice %arg13[%add3A_18, %dma_wait3A_56] : memref<10112x128xf32, #tpu.memory_space<vmem_shared>> -> memref<64x128xf32, #tpu.memory_space<vmem_shared>>
      tpu.wait_dma2 semaphore(%run_scoped3A : memref<!tpu.dma_semaphore, #tpu.memory_space<semaphore_mem>>) src(%arg12 : memref<64x128xf32, #tpu.memory_space<vmem>>) dst(%dma_wait3A_57 : memref<64x128xf32, #tpu.memory_space<vmem_shared>>)
      tpu.yield
    }) : () -> ()
    %add3A_19 = arith.constant 320 : i32
    %add3A_20 = arith.addi %mul3A_8, %add3A_19 : i32
    "tpu.region"() ({
      %run_scoped3A = tpu.sem_alloc : memref<!tpu.dma_semaphore, #tpu.memory_space<semaphore_mem>>
      %dma_start3A_51 = arith.constant 0 : i32
      %dma_start3A_52 = tpu.memref_slice %arg13[%add3A_20, %dma_start3A_51] : memref<10112x128xf32, #tpu.memory_space<vmem_shared>> -> memref<64x128xf32, #tpu.memory_space<vmem_shared>>
      %dma_start3A_53 = arith.constant 0 : i32
      %dma_start3A_54 = tpu.memref_slice %arg13[%add3A_20, %dma_start3A_53] : memref<10112x128xf32, #tpu.memory_space<vmem_shared>> -> memref<64x128xf32, #tpu.memory_space<vmem_shared>>
      tpu.enqueue_dma source(%arg12 : memref<64x128xf32, #tpu.memory_space<vmem>>) target(%dma_start3A_54 : memref<64x128xf32, #tpu.memory_space<vmem_shared>>) target_semaphore(%run_scoped3A : memref<!tpu.dma_semaphore, #tpu.memory_space<semaphore_mem>>)
      %dma_wait3A = arith.constant 0 : i32
      %dma_wait3A_55 = tpu.memref_slice %arg13[%add3A_20, %dma_wait3A] : memref<10112x128xf32, #tpu.memory_space<vmem_shared>> -> memref<64x128xf32, #tpu.memory_space<vmem_shared>>
      %dma_wait3A_56 = arith.constant 0 : i32
      %dma_wait3A_57 = tpu.memref_slice %arg13[%add3A_20, %dma_wait3A_56] : memref<10112x128xf32, #tpu.memory_space<vmem_shared>> -> memref<64x128xf32, #tpu.memory_space<vmem_shared>>
      tpu.wait_dma2 semaphore(%run_scoped3A : memref<!tpu.dma_semaphore, #tpu.memory_space<semaphore_mem>>) src(%arg12 : memref<64x128xf32, #tpu.memory_space<vmem>>) dst(%dma_wait3A_57 : memref<64x128xf32, #tpu.memory_space<vmem_shared>>)
      tpu.yield
    }) : () -> ()
    %add3A_21 = arith.constant 384 : i32
    %add3A_22 = arith.addi %mul3A_8, %add3A_21 : i32
    "tpu.region"() ({
      %run_scoped3A = tpu.sem_alloc : memref<!tpu.dma_semaphore, #tpu.memory_space<semaphore_mem>>
      %dma_start3A_51 = arith.constant 0 : i32
      %dma_start3A_52 = tpu.memref_slice %arg13[%add3A_22, %dma_start3A_51] : memref<10112x128xf32, #tpu.memory_space<vmem_shared>> -> memref<64x128xf32, #tpu.memory_space<vmem_shared>>
      %dma_start3A_53 = arith.constant 0 : i32
      %dma_start3A_54 = tpu.memref_slice %arg13[%add3A_22, %dma_start3A_53] : memref<10112x128xf32, #tpu.memory_space<vmem_shared>> -> memref<64x128xf32, #tpu.memory_space<vmem_shared>>
      tpu.enqueue_dma source(%arg12 : memref<64x128xf32, #tpu.memory_space<vmem>>) target(%dma_start3A_54 : memref<64x128xf32, #tpu.memory_space<vmem_shared>>) target_semaphore(%run_scoped3A : memref<!tpu.dma_semaphore, #tpu.memory_space<semaphore_mem>>)
      %dma_wait3A = arith.constant 0 : i32
      %dma_wait3A_55 = tpu.memref_slice %arg13[%add3A_22, %dma_wait3A] : memref<10112x128xf32, #tpu.memory_space<vmem_shared>> -> memref<64x128xf32, #tpu.memory_space<vmem_shared>>
      %dma_wait3A_56 = arith.constant 0 : i32
      %dma_wait3A_57 = tpu.memref_slice %arg13[%add3A_22, %dma_wait3A_56] : memref<10112x128xf32, #tpu.memory_space<vmem_shared>> -> memref<64x128xf32, #tpu.memory_space<vmem_shared>>
      tpu.wait_dma2 semaphore(%run_scoped3A : memref<!tpu.dma_semaphore, #tpu.memory_space<semaphore_mem>>) src(%arg12 : memref<64x128xf32, #tpu.memory_space<vmem>>) dst(%dma_wait3A_57 : memref<64x128xf32, #tpu.memory_space<vmem_shared>>)
      tpu.yield
    }) : () -> ()
    %add3A_23 = arith.constant 448 : i32
    %add3A_24 = arith.addi %mul3A_8, %add3A_23 : i32
    "tpu.region"() ({
      %run_scoped3A = tpu.sem_alloc : memref<!tpu.dma_semaphore, #tpu.memory_space<semaphore_mem>>
      %dma_start3A_51 = arith.constant 0 : i32
      %dma_start3A_52 = tpu.memref_slice %arg13[%add3A_24, %dma_start3A_51] : memref<10112x128xf32, #tpu.memory_space<vmem_shared>> -> memref<64x128xf32, #tpu.memory_space<vmem_shared>>
      %dma_start3A_53 = arith.constant 0 : i32
      %dma_start3A_54 = tpu.memref_slice %arg13[%add3A_24, %dma_start3A_53] : memref<10112x128xf32, #tpu.memory_space<vmem_shared>> -> memref<64x128xf32, #tpu.memory_space<vmem_shared>>
      tpu.enqueue_dma source(%arg12 : memref<64x128xf32, #tpu.memory_space<vmem>>) target(%dma_start3A_54 : memref<64x128xf32, #tpu.memory_space<vmem_shared>>) target_semaphore(%run_scoped3A : memref<!tpu.dma_semaphore, #tpu.memory_space<semaphore_mem>>)
      %dma_wait3A = arith.constant 0 : i32
      %dma_wait3A_55 = tpu.memref_slice %arg13[%add3A_24, %dma_wait3A] : memref<10112x128xf32, #tpu.memory_space<vmem_shared>> -> memref<64x128xf32, #tpu.memory_space<vmem_shared>>
      %dma_wait3A_56 = arith.constant 0 : i32
      %dma_wait3A_57 = tpu.memref_slice %arg13[%add3A_24, %dma_wait3A_56] : memref<10112x128xf32, #tpu.memory_space<vmem_shared>> -> memref<64x128xf32, #tpu.memory_space<vmem_shared>>
      tpu.wait_dma2 semaphore(%run_scoped3A : memref<!tpu.dma_semaphore, #tpu.memory_space<semaphore_mem>>) src(%arg12 : memref<64x128xf32, #tpu.memory_space<vmem>>) dst(%dma_wait3A_57 : memref<64x128xf32, #tpu.memory_space<vmem_shared>>)
      tpu.yield
    }) : () -> ()
    %add3A_25 = arith.constant 512 : i32
    %add3A_26 = arith.addi %mul3A_8, %add3A_25 : i32
    "tpu.region"() ({
      %run_scoped3A = tpu.sem_alloc : memref<!tpu.dma_semaphore, #tpu.memory_space<semaphore_mem>>
      %dma_start3A_51 = arith.constant 0 : i32
      %dma_start3A_52 = tpu.memref_slice %arg13[%add3A_26, %dma_start3A_51] : memref<10112x128xf32, #tpu.memory_space<vmem_shared>> -> memref<64x128xf32, #tpu.memory_space<vmem_shared>>
      %dma_start3A_53 = arith.constant 0 : i32
      %dma_start3A_54 = tpu.memref_slice %arg13[%add3A_26, %dma_start3A_53] : memref<10112x128xf32, #tpu.memory_space<vmem_shared>> -> memref<64x128xf32, #tpu.memory_space<vmem_shared>>
      tpu.enqueue_dma source(%arg12 : memref<64x128xf32, #tpu.memory_space<vmem>>) target(%dma_start3A_54 : memref<64x128xf32, #tpu.memory_space<vmem_shared>>) target_semaphore(%run_scoped3A : memref<!tpu.dma_semaphore, #tpu.memory_space<semaphore_mem>>)
      %dma_wait3A = arith.constant 0 : i32
      %dma_wait3A_55 = tpu.memref_slice %arg13[%add3A_26, %dma_wait3A] : memref<10112x128xf32, #tpu.memory_space<vmem_shared>> -> memref<64x128xf32, #tpu.memory_space<vmem_shared>>
      %dma_wait3A_56 = arith.constant 0 : i32
      %dma_wait3A_57 = tpu.memref_slice %arg13[%add3A_26, %dma_wait3A_56] : memref<10112x128xf32, #tpu.memory_space<vmem_shared>> -> memref<64x128xf32, #tpu.memory_space<vmem_shared>>
      tpu.wait_dma2 semaphore(%run_scoped3A : memref<!tpu.dma_semaphore, #tpu.memory_space<semaphore_mem>>) src(%arg12 : memref<64x128xf32, #tpu.memory_space<vmem>>) dst(%dma_wait3A_57 : memref<64x128xf32, #tpu.memory_space<vmem_shared>>)
      tpu.yield
    }) : () -> ()
    %add3A_27 = arith.constant 632 : i32
    %add3A_28 = arith.addi %mul3A_8, %add3A_27 : i32
    %sub3A = arith.constant 56 : i32
    %sub3A_29 = arith.subi %add3A_28, %sub3A : i32
    "tpu.region"() ({
      %run_scoped3A = tpu.sem_alloc : memref<!tpu.dma_semaphore, #tpu.memory_space<semaphore_mem>>
      %dma_start3A_51 = arith.constant 0 : i32
      %dma_start3A_52 = arith.constant 0 : i32
      %dma_start3A_53 = tpu.memref_slice %arg12[%dma_start3A_51, %dma_start3A_52] : memref<64x128xf32, #tpu.memory_space<vmem>> -> memref<56x128xf32, #tpu.memory_space<vmem>>
      %dma_start3A_54 = arith.constant 0 : i32
      %dma_start3A_55 = tpu.memref_slice %arg13[%sub3A_29, %dma_start3A_54] : memref<10112x128xf32, #tpu.memory_space<vmem_shared>> -> memref<56x128xf32, #tpu.memory_space<vmem_shared>>
      %dma_start3A_56 = arith.constant 0 : i32
      %dma_start3A_57 = tpu.memref_slice %arg13[%sub3A_29, %dma_start3A_56] : memref<10112x128xf32, #tpu.memory_space<vmem_shared>> -> memref<56x128xf32, #tpu.memory_space<vmem_shared>>
      %dma_start3A_58 = arith.constant 0 : i32
      %dma_start3A_59 = arith.constant 0 : i32
      %dma_start3A_60 = tpu.memref_slice %arg12[%dma_start3A_58, %dma_start3A_59] : memref<64x128xf32, #tpu.memory_space<vmem>> -> memref<56x128xf32, #tpu.memory_space<vmem>>
      tpu.enqueue_dma source(%dma_start3A_60 : memref<56x128xf32, #tpu.memory_space<vmem>>) target(%dma_start3A_57 : memref<56x128xf32, #tpu.memory_space<vmem_shared>>) target_semaphore(%run_scoped3A : memref<!tpu.dma_semaphore, #tpu.memory_space<semaphore_mem>>)
      %dma_wait3A = arith.constant 0 : i32
      %dma_wait3A_61 = arith.constant 0 : i32
      %dma_wait3A_62 = tpu.memref_slice %arg12[%dma_wait3A, %dma_wait3A_61] : memref<64x128xf32, #tpu.memory_space<vmem>> -> memref<56x128xf32, #tpu.memory_space<vmem>>
      %dma_wait3A_63 = arith.constant 0 : i32
      %dma_wait3A_64 = tpu.memref_slice %arg13[%sub3A_29, %dma_wait3A_63] : memref<10112x128xf32, #tpu.memory_space<vmem_shared>> -> memref<56x128xf32, #tpu.memory_space<vmem_shared>>
      %dma_wait3A_65 = arith.constant 0 : i32
      %dma_wait3A_66 = tpu.memref_slice %arg13[%sub3A_29, %dma_wait3A_65] : memref<10112x128xf32, #tpu.memory_space<vmem_shared>> -> memref<56x128xf32, #tpu.memory_space<vmem_shared>>
      %dma_wait3A_67 = arith.constant 0 : i32
      %dma_wait3A_68 = arith.constant 0 : i32
      %dma_wait3A_69 = tpu.memref_slice %arg12[%dma_wait3A_67, %dma_wait3A_68] : memref<64x128xf32, #tpu.memory_space<vmem>> -> memref<56x128xf32, #tpu.memory_space<vmem>>
      tpu.wait_dma2 semaphore(%run_scoped3A : memref<!tpu.dma_semaphore, #tpu.memory_space<semaphore_mem>>) src(%dma_wait3A_69 : memref<56x128xf32, #tpu.memory_space<vmem>>) dst(%dma_wait3A_66 : memref<56x128xf32, #tpu.memory_space<vmem_shared>>)
      tpu.yield
    }) : () -> ()
    %barrier3A = arith.constant 0 : index
    tpu.barrier barrier_id(%barrier3A)
    %dma_start3A = arith.constant 0 : i32
    %dma_start3A_30 = arith.constant 0 : i32
    %dma_start3A_31 = tpu.memref_slice %arg7[%dma_start3A, %dma_start3A_30] : memref<158x64xi32, #tpu.memory_space<vmem>> -> memref<1x64xi32, #tpu.memory_space<vmem>>
    %dma_start3A_32 = tpu.memref_squeeze %dma_start3A_31 : memref<1x64xi32, #tpu.memory_space<vmem>> -> memref<64xi32, #tpu.memory_space<vmem>>
    %dma_start3A_33 = arith.constant 0 : i32
    %dma_start3A_34 = arith.constant 0 : i32
    %dma_start3A_35 = tpu.memref_slice %arg2[%dma_start3A_33, %dma_start3A_34] : memref<10000x64xi32, #tpu.memory_space<hbm>> -> memref<10000x64xi32, #tpu.memory_space<hbm>>
    tpu.enqueue_indirect_dma source(%dma_start3A_35 : memref<10000x64xi32, #tpu.memory_space<hbm>>) target(%arg10 : memref<64x64xi32, #tpu.memory_space<vmem>>) offsets(%dma_start3A_32 : memref<64xi32, #tpu.memory_space<vmem>>) semaphore(%arg14 : memref<!tpu.dma_semaphore, #tpu.memory_space<semaphore_mem>>)
    %dma_start3A_36 = arith.constant 1 : i32
    %dma_start3A_37 = arith.constant 0 : i32
    %dma_start3A_38 = tpu.memref_slice %arg7[%dma_start3A_36, %dma_start3A_37] : memref<158x64xi32, #tpu.memory_space<vmem>> -> memref<1x64xi32, #tpu.memory_space<vmem>>
    %dma_start3A_39 = tpu.memref_squeeze %dma_start3A_38 : memref<1x64xi32, #tpu.memory_space<vmem>> -> memref<64xi32, #tpu.memory_space<vmem>>
    %dma_start3A_40 = arith.constant 0 : i32
    %dma_start3A_41 = arith.constant 0 : i32
    %dma_start3A_42 = tpu.memref_slice %arg2[%dma_start3A_40, %dma_start3A_41] : memref<10000x64xi32, #tpu.memory_space<hbm>> -> memref<10000x64xi32, #tpu.memory_space<hbm>>
    tpu.enqueue_indirect_dma source(%dma_start3A_42 : memref<10000x64xi32, #tpu.memory_space<hbm>>) target(%arg11 : memref<64x64xi32, #tpu.memory_space<vmem>>) offsets(%dma_start3A_39 : memref<64xi32, #tpu.memory_space<vmem>>) semaphore(%arg15 : memref<!tpu.dma_semaphore, #tpu.memory_space<semaphore_mem>>)
    %scan3A_43 = arith.constant 0 : i32
    %scan3A_44 = arith.constant 0 : i32
    %scan3A_45 = arith.constant 79 : i32
    %scan3A_46 = arith.addi %scan3A_44, %scan3A_45 : i32
    %scan3A_47 = arith.constant 1 : i32
    %scan3A_48 = scf.for %scan3A_51 = %scan3A_44 to %scan3A_46 step %scan3A_47 iter_args(%scan3A_52 = %scan3A_43) -> (i32)  : i32 {
      %mul3A_53 = arith.constant 2 : i32
      %mul3A_54 = arith.muli %scan3A_51, %mul3A_53 : i32
      %dma_wait3A = arith.constant 0 : i32
      %dma_wait3A_55 = tpu.memref_slice %arg7[%mul3A_54, %dma_wait3A] : memref<158x64xi32, #tpu.memory_space<vmem>> -> memref<1x64xi32, #tpu.memory_space<vmem>>
      %dma_wait3A_56 = tpu.memref_squeeze %dma_wait3A_55 : memref<1x64xi32, #tpu.memory_space<vmem>> -> memref<64xi32, #tpu.memory_space<vmem>>
      %dma_wait3A_57 = arith.constant 0 : i32
      %dma_wait3A_58 = arith.constant 0 : i32
      %dma_wait3A_59 = tpu.memref_slice %arg2[%dma_wait3A_57, %dma_wait3A_58] : memref<10000x64xi32, #tpu.memory_space<hbm>> -> memref<10000x64xi32, #tpu.memory_space<hbm>>
      tpu.wait_indirect_dma semaphore(%arg14 : memref<!tpu.dma_semaphore, #tpu.memory_space<semaphore_mem>>) src(%dma_wait3A_59 : memref<10000x64xi32, #tpu.memory_space<hbm>>) dst(%arg10 : memref<64x64xi32, #tpu.memory_space<vmem>>)
      %parallel_loop3A = arith.constant 0 : i32
      %parallel_loop3A_60 = arith.constant 64 : i32
      %parallel_loop3A_61 = arith.constant 1 : i32
      scf.for %parallel_loop3A_87 = %parallel_loop3A to %parallel_loop3A_60 step %parallel_loop3A_61  : i32 {
        %parallel_loop3A_88 = arith.constant 16 : i32
        %parallel_loop3A_89 = arith.divsi %parallel_loop3A_87, %parallel_loop3A_88 : i32
        %parallel_loop3A_90 = arith.constant 0 : i32
        %parallel_loop3A_91 = arith.cmpi sgt, %parallel_loop3A_87, %parallel_loop3A_90 : i32
        %parallel_loop3A_92 = arith.extui %parallel_loop3A_91 : i1 to i32
        %parallel_loop3A_93 = arith.constant 0 : i32
        %parallel_loop3A_94 = arith.cmpi slt, %parallel_loop3A_87, %parallel_loop3A_93 : i32
        %parallel_loop3A_95 = arith.extui %parallel_loop3A_94 : i1 to i32
        %parallel_loop3A_96 = arith.subi %parallel_loop3A_92, %parallel_loop3A_95 : i32
        %parallel_loop3A_97 = arith.constant 0 : i32
        %parallel_loop3A_98 = arith.cmpi sgt, %parallel_loop3A_88, %parallel_loop3A_97 : i32
        %parallel_loop3A_99 = arith.extui %parallel_loop3A_98 : i1 to i32
        %parallel_loop3A_100 = arith.constant 0 : i32
        %parallel_loop3A_101 = arith.cmpi slt, %parallel_loop3A_88, %parallel_loop3A_100 : i32
        %parallel_loop3A_102 = arith.extui %parallel_loop3A_101 : i1 to i32
        %parallel_loop3A_103 = arith.subi %parallel_loop3A_99, %parallel_loop3A_102 : i32
        %parallel_loop3A_104 = arith.cmpi ne, %parallel_loop3A_96, %parallel_loop3A_103 : i32
        %parallel_loop3A_105 = arith.remsi %parallel_loop3A_87, %parallel_loop3A_88 : i32
        %parallel_loop3A_106 = arith.constant 0 : i32
        %parallel_loop3A_107 = arith.cmpi ne, %parallel_loop3A_105, %parallel_loop3A_106 : i32
        %parallel_loop3A_108 = arith.andi %parallel_loop3A_104, %parallel_loop3A_107 : i1
        %parallel_loop3A_109 = arith.constant 1 : i32
        %parallel_loop3A_110 = arith.subi %parallel_loop3A_89, %parallel_loop3A_109 : i32
        %parallel_loop3A_111 = arith.select %parallel_loop3A_108, %parallel_loop3A_110, %parallel_loop3A_89 : i32
        %parallel_loop3A_112 = arith.constant 16 : i32
        %parallel_loop3A_113 = arith.muli %parallel_loop3A_111, %parallel_loop3A_112 : i32
        %parallel_loop3A_114 = arith.index_cast %mul3A_54 : i32 to index
        %parallel_loop3A_115 = arith.index_cast %parallel_loop3A_113 : i32 to index
        %parallel_loop3A_116 = tpu.vector_load %arg9[%parallel_loop3A_114, %parallel_loop3A_115] {strides = array<i32>} : memref<158x64xf32, #tpu.memory_space<vmem>>, vector<16xf32>,
        %parallel_loop3A_117 = arith.subi %parallel_loop3A_87, %parallel_loop3A_113 : i32
        %parallel_loop3A_118 = vector.broadcast %parallel_loop3A_117 : i32 to vector<16xi32>
        %parallel_loop3A_119 = arith.constant 0 : i32
        %parallel_loop3A_120 = vector.broadcast %parallel_loop3A_119 : i32 to vector<16xi32>
        %parallel_loop3A_121 = arith.cmpi slt, %parallel_loop3A_118, %parallel_loop3A_120 : vector<16xi32>
        %parallel_loop3A_122 = arith.constant 16 : i32
        %parallel_loop3A_123 = vector.broadcast %parallel_loop3A_122 : i32 to vector<16xi32>
        %parallel_loop3A_124 = arith.addi %parallel_loop3A_118, %parallel_loop3A_123 : vector<16xi32>
        %parallel_loop3A_125 = arith.select %parallel_loop3A_121, %parallel_loop3A_124, %parallel_loop3A_118 : vector<16xi1>, vector<16xi32>
        %parallel_loop3A_126 = vector.shape_cast %parallel_loop3A_125 : vector<16xi32> to vector<16x1xi32>
        %parallel_loop3A_127 = vector.shape_cast %parallel_loop3A_126 : vector<16x1xi32> to vector<16xi32>
        %parallel_loop3A_128 = tpu.dynamic_gather %parallel_loop3A_116[%parallel_loop3A_127] in [0] : vector<16xf32>, vector<16xi32> -> vector<16xf32>
        %parallel_loop3A_129 = arith.index_cast %parallel_loop3A_87 : i32 to index
        %parallel_loop3A_130 = arith.constant 0 : index
        %parallel_loop3A_131 = tpu.vector_load %arg10[%parallel_loop3A_129, %parallel_loop3A_130] {strides = array<i32>} : memref<64x64xi32, #tpu.memory_space<vmem>>, vector<16xi32>,
        %parallel_loop3A_132 = arith.constant 16 : i32
        %parallel_loop3A_133 = vector.broadcast %parallel_loop3A_132 : i32 to vector<16xi32>
        %parallel_loop3A_134 = arith.shli %parallel_loop3A_131, %parallel_loop3A_133 : vector<16xi32>
        %parallel_loop3A_135 = vector.bitcast %parallel_loop3A_134 : vector<16xi32> to vector<16xf32>
        %parallel_loop3A_136 = arith.constant -65536 : i32
        %parallel_loop3A_137 = vector.broadcast %parallel_loop3A_136 : i32 to vector<16xi32>
        %parallel_loop3A_138 = arith.andi %parallel_loop3A_131, %parallel_loop3A_137 : vector<16xi32>
        %parallel_loop3A_139 = vector.bitcast %parallel_loop3A_138 : vector<16xi32> to vector<16xf32>
        %parallel_loop3A_140 = arith.mulf %parallel_loop3A_135, %parallel_loop3A_128 : vector<16xf32>
        %parallel_loop3A_141 = arith.index_cast %parallel_loop3A_87 : i32 to index
        %parallel_loop3A_142 = arith.constant 0 : index
        %parallel_loop3A_143 = tpu.vector_load %arg12[%parallel_loop3A_141, %parallel_loop3A_142] {strides = array<i32>} : memref<64x128xf32, #tpu.memory_space<vmem>>, vector<16xf32>,
        tpu.vector_store %arg12[%parallel_loop3A_141, %parallel_loop3A_142], %parallel_loop3A_140 {strides = array<i32>} : memref<64x128xf32, #tpu.memory_space<vmem>>, vector<16xf32>,
        %parallel_loop3A_144 = arith.mulf %parallel_loop3A_139, %parallel_loop3A_128 : vector<16xf32>
        %parallel_loop3A_145 = arith.index_cast %parallel_loop3A_87 : i32 to index
        %parallel_loop3A_146 = arith.constant 16 : index
        %parallel_loop3A_147 = tpu.vector_load %arg12[%parallel_loop3A_145, %parallel_loop3A_146] {strides = array<i32>} : memref<64x128xf32, #tpu.memory_space<vmem>>, vector<16xf32>,
        tpu.vector_store %arg12[%parallel_loop3A_145, %parallel_loop3A_146], %parallel_loop3A_144 {strides = array<i32>} : memref<64x128xf32, #tpu.memory_space<vmem>>, vector<16xf32>,
        %parallel_loop3A_148 = arith.index_cast %parallel_loop3A_87 : i32 to index
        %parallel_loop3A_149 = arith.constant 16 : index
        %parallel_loop3A_150 = tpu.vector_load %arg10[%parallel_loop3A_148, %parallel_loop3A_149] {strides = array<i32>} : memref<64x64xi32, #tpu.memory_space<vmem>>, vector<16xi32>,
        %parallel_loop3A_151 = arith.constant 16 : i32
        %parallel_loop3A_152 = vector.broadcast %parallel_loop3A_151 : i32 to vector<16xi32>
        %parallel_loop3A_153 = arith.shli %parallel_loop3A_150, %parallel_loop3A_152 : vector<16xi32>
        %parallel_loop3A_154 = vector.bitcast %parallel_loop3A_153 : vector<16xi32> to vector<16xf32>
        %parallel_loop3A_155 = arith.constant -65536 : i32
        %parallel_loop3A_156 = vector.broadcast %parallel_loop3A_155 : i32 to vector<16xi32>
        %parallel_loop3A_157 = arith.andi %parallel_loop3A_150, %parallel_loop3A_156 : vector<16xi32>
        %parallel_loop3A_158 = vector.bitcast %parallel_loop3A_157 : vector<16xi32> to vector<16xf32>
        %parallel_loop3A_159 = arith.mulf %parallel_loop3A_154, %parallel_loop3A_128 : vector<16xf32>
        %parallel_loop3A_160 = arith.index_cast %parallel_loop3A_87 : i32 to index
        %parallel_loop3A_161 = arith.constant 32 : index
        %parallel_loop3A_162 = tpu.vector_load %arg12[%parallel_loop3A_160, %parallel_loop3A_161] {strides = array<i32>} : memref<64x128xf32, #tpu.memory_space<vmem>>, vector<16xf32>,
        tpu.vector_store %arg12[%parallel_loop3A_160, %parallel_loop3A_161], %parallel_loop3A_159 {strides = array<i32>} : memref<64x128xf32, #tpu.memory_space<vmem>>, vector<16xf32>,
        %parallel_loop3A_163 = arith.mulf %parallel_loop3A_158, %parallel_loop3A_128 : vector<16xf32>
        %parallel_loop3A_164 = arith.index_cast %parallel_loop3A_87 : i32 to index
        %parallel_loop3A_165 = arith.constant 48 : index
        %parallel_loop3A_166 = tpu.vector_load %arg12[%parallel_loop3A_164, %parallel_loop3A_165] {strides = array<i32>} : memref<64x128xf32, #tpu.memory_space<vmem>>, vector<16xf32>,
        tpu.vector_store %arg12[%parallel_loop3A_164, %parallel_loop3A_165], %parallel_loop3A_163 {strides = array<i32>} : memref<64x128xf32, #tpu.memory_space<vmem>>, vector<16xf32>,
        %parallel_loop3A_167 = arith.index_cast %parallel_loop3A_87 : i32 to index
        %parallel_loop3A_168 = arith.constant 32 : index
        %parallel_loop3A_169 = tpu.vector_load %arg10[%parallel_loop3A_167, %parallel_loop3A_168] {strides = array<i32>} : memref<64x64xi32, #tpu.memory_space<vmem>>, vector<16xi32>,
        %parallel_loop3A_170 = arith.constant 16 : i32
        %parallel_loop3A_171 = vector.broadcast %parallel_loop3A_170 : i32 to vector<16xi32>
        %parallel_loop3A_172 = arith.shli %parallel_loop3A_169, %parallel_loop3A_171 : vector<16xi32>
        %parallel_loop3A_173 = vector.bitcast %parallel_loop3A_172 : vector<16xi32> to vector<16xf32>
        %parallel_loop3A_174 = arith.constant -65536 : i32
        %parallel_loop3A_175 = vector.broadcast %parallel_loop3A_174 : i32 to vector<16xi32>
        %parallel_loop3A_176 = arith.andi %parallel_loop3A_169, %parallel_loop3A_175 : vector<16xi32>
        %parallel_loop3A_177 = vector.bitcast %parallel_loop3A_176 : vector<16xi32> to vector<16xf32>
        %parallel_loop3A_178 = arith.mulf %parallel_loop3A_173, %parallel_loop3A_128 : vector<16xf32>
        %parallel_loop3A_179 = arith.index_cast %parallel_loop3A_87 : i32 to index
        %parallel_loop3A_180 = arith.constant 64 : index
        %parallel_loop3A_181 = tpu.vector_load %arg12[%parallel_loop3A_179, %parallel_loop3A_180] {strides = array<i32>} : memref<64x128xf32, #tpu.memory_space<vmem>>, vector<16xf32>,
        tpu.vector_store %arg12[%parallel_loop3A_179, %parallel_loop3A_180], %parallel_loop3A_178 {strides = array<i32>} : memref<64x128xf32, #tpu.memory_space<vmem>>, vector<16xf32>,
        %parallel_loop3A_182 = arith.mulf %parallel_loop3A_177, %parallel_loop3A_128 : vector<16xf32>
        %parallel_loop3A_183 = arith.index_cast %parallel_loop3A_87 : i32 to index
        %parallel_loop3A_184 = arith.constant 80 : index
        %parallel_loop3A_185 = tpu.vector_load %arg12[%parallel_loop3A_183, %parallel_loop3A_184] {strides = array<i32>} : memref<64x128xf32, #tpu.memory_space<vmem>>, vector<16xf32>,
        tpu.vector_store %arg12[%parallel_loop3A_183, %parallel_loop3A_184], %parallel_loop3A_182 {strides = array<i32>} : memref<64x128xf32, #tpu.memory_space<vmem>>, vector<16xf32>,
        %parallel_loop3A_186 = arith.index_cast %parallel_loop3A_87 : i32 to index
        %parallel_loop3A_187 = arith.constant 48 : index
        %parallel_loop3A_188 = tpu.vector_load %arg10[%parallel_loop3A_186, %parallel_loop3A_187] {strides = array<i32>} : memref<64x64xi32, #tpu.memory_space<vmem>>, vector<16xi32>,
        %parallel_loop3A_189 = arith.constant 16 : i32
        %parallel_loop3A_190 = vector.broadcast %parallel_loop3A_189 : i32 to vector<16xi32>
        %parallel_loop3A_191 = arith.shli %parallel_loop3A_188, %parallel_loop3A_190 : vector<16xi32>
        %parallel_loop3A_192 = vector.bitcast %parallel_loop3A_191 : vector<16xi32> to vector<16xf32>
        %parallel_loop3A_193 = arith.constant -65536 : i32
        %parallel_loop3A_194 = vector.broadcast %parallel_loop3A_193 : i32 to vector<16xi32>
        %parallel_loop3A_195 = arith.andi %parallel_loop3A_188, %parallel_loop3A_194 : vector<16xi32>
        %parallel_loop3A_196 = vector.bitcast %parallel_loop3A_195 : vector<16xi32> to vector<16xf32>
        %parallel_loop3A_197 = arith.mulf %parallel_loop3A_192, %parallel_loop3A_128 : vector<16xf32>
        %parallel_loop3A_198 = arith.index_cast %parallel_loop3A_87 : i32 to index
        %parallel_loop3A_199 = arith.constant 96 : index
        %parallel_loop3A_200 = tpu.vector_load %arg12[%parallel_loop3A_198, %parallel_loop3A_199] {strides = array<i32>} : memref<64x128xf32, #tpu.memory_space<vmem>>, vector<16xf32>,
        tpu.vector_store %arg12[%parallel_loop3A_198, %parallel_loop3A_199], %parallel_loop3A_197 {strides = array<i32>} : memref<64x128xf32, #tpu.memory_space<vmem>>, vector<16xf32>,
        %parallel_loop3A_201 = arith.mulf %parallel_loop3A_196, %parallel_loop3A_128 : vector<16xf32>
        %parallel_loop3A_202 = arith.index_cast %parallel_loop3A_87 : i32 to index
        %parallel_loop3A_203 = arith.constant 112 : index
        %parallel_loop3A_204 = tpu.vector_load %arg12[%parallel_loop3A_202, %parallel_loop3A_203] {strides = array<i32>} : memref<64x128xf32, #tpu.memory_space<vmem>>, vector<16xf32>,
        tpu.vector_store %arg12[%parallel_loop3A_202, %parallel_loop3A_203], %parallel_loop3A_201 {strides = array<i32>} : memref<64x128xf32, #tpu.memory_space<vmem>>, vector<16xf32>,
      } {sc.loop_unroll_factor = 8 : i64, sc.parallel_access}
      %add3A_62 = arith.constant 2 : i32
      %add3A_63 = arith.addi %mul3A_54, %add3A_62 : i32
      %lt3A = arith.constant 158 : i32
      %lt3A_64 = arith.cmpi slt, %add3A_63, %lt3A : i32
      %convert_element_type3A = arith.extui %lt3A_64 : i1 to i32
      %cond3A = arith.constant 0 : i32
      %cond3A_65 = arith.cmpi ne, %convert_element_type3A, %cond3A : i32
      scf.if %cond3A_65 {
        %add3A_87 = arith.constant 2 : i32
        %add3A_88 = arith.addi %mul3A_54, %add3A_87 : i32
        %dma_start3A_89 = arith.constant 0 : i32
        %dma_start3A_90 = tpu.memref_slice %arg7[%add3A_88, %dma_start3A_89] : memref<158x64xi32, #tpu.memory_space<vmem>> -> memref<1x64xi32, #tpu.memory_space<vmem>>
        %dma_start3A_91 = tpu.memref_squeeze %dma_start3A_90 : memref<1x64xi32, #tpu.memory_space<vmem>> -> memref<64xi32, #tpu.memory_space<vmem>>
        %dma_start3A_92 = arith.constant 0 : i32
        %dma_start3A_93 = arith.constant 0 : i32
        %dma_start3A_94 = tpu.memref_slice %arg2[%dma_start3A_92, %dma_start3A_93] : memref<10000x64xi32, #tpu.memory_space<hbm>> -> memref<10000x64xi32, #tpu.memory_space<hbm>>
        tpu.enqueue_indirect_dma source(%dma_start3A_94 : memref<10000x64xi32, #tpu.memory_space<hbm>>) target(%arg10 : memref<64x64xi32, #tpu.memory_space<vmem>>) offsets(%dma_start3A_91 : memref<64xi32, #tpu.memory_space<vmem>>) semaphore(%arg14 : memref<!tpu.dma_semaphore, #tpu.memory_space<semaphore_mem>>)
      } else {
      }
      "tpu.region"() ({
        %run_scoped3A = tpu.sem_alloc : memref<!tpu.dma_semaphore, #tpu.memory_space<semaphore_mem>>
        %dma_start3A_87 = arith.constant 0 : i32
        %dma_start3A_88 = tpu.memref_slice %arg8[%mul3A_54, %dma_start3A_87] : memref<158x64xi32, #tpu.memory_space<vmem>> -> memref<1x64xi32, #tpu.memory_space<vmem>>
        %dma_start3A_89 = tpu.memref_squeeze %dma_start3A_88 : memref<1x64xi32, #tpu.memory_space<vmem>> -> memref<64xi32, #tpu.memory_space<vmem>>
        %dma_start3A_90 = arith.constant 0 : i32
        %dma_start3A_91 = arith.constant 0 : i32
        %dma_start3A_92 = tpu.memref_slice %arg13[%dma_start3A_90, %dma_start3A_91] : memref<10112x128xf32, #tpu.memory_space<vmem_shared>> -> memref<10112x128xf32, #tpu.memory_space<vmem_shared>>
        tpu.enqueue_indirect_dma source(%arg12 : memref<64x128xf32, #tpu.memory_space<vmem>>) target(%dma_start3A_92 : memref<10112x128xf32, #tpu.memory_space<vmem_shared>>) offsets(%dma_start3A_89 : memref<64xi32, #tpu.memory_space<vmem>>) semaphore(%run_scoped3A : memref<!tpu.dma_semaphore, #tpu.memory_space<semaphore_mem>>) {add = true}
        %dma_wait3A_93 = arith.constant 0 : i32
        %dma_wait3A_94 = tpu.memref_slice %arg8[%mul3A_54, %dma_wait3A_93] : memref<158x64xi32, #tpu.memory_space<vmem>> -> memref<1x64xi32, #tpu.memory_space<vmem>>
        %dma_wait3A_95 = tpu.memref_squeeze %dma_wait3A_94 : memref<1x64xi32, #tpu.memory_space<vmem>> -> memref<64xi32, #tpu.memory_space<vmem>>
        %dma_wait3A_96 = arith.constant 0 : i32
        %dma_wait3A_97 = arith.constant 0 : i32
        %dma_wait3A_98 = tpu.memref_slice %arg13[%dma_wait3A_96, %dma_wait3A_97] : memref<10112x128xf32, #tpu.memory_space<vmem_shared>> -> memref<10112x128xf32, #tpu.memory_space<vmem_shared>>
        tpu.wait_indirect_dma semaphore(%run_scoped3A : memref<!tpu.dma_semaphore, #tpu.memory_space<semaphore_mem>>) src(%arg12 : memref<64x128xf32, #tpu.memory_space<vmem>>) dst(%dma_wait3A_98 : memref<10112x128xf32, #tpu.memory_space<vmem_shared>>)
        tpu.yield
      }) : () -> ()
      %mul3A_66 = arith.constant 2 : i32
      %mul3A_67 = arith.muli %scan3A_51, %mul3A_66 : i32
      %add3A_68 = arith.constant 1 : i32
      %add3A_69 = arith.addi %mul3A_67, %add3A_68 : i32
      %dma_wait3A_70 = arith.constant 0 : i32
      %dma_wait3A_71 = tpu.memref_slice %arg7[%add3A_69, %dma_wait3A_70] : memref<158x64xi32, #tpu.memory_space<vmem>> -> memref<1x64xi32, #tpu.memory_space<vmem>>
      %dma_wait3A_72 = tpu.memref_squeeze %dma_wait3A_71 : memref<1x64xi32, #tpu.memory_space<vmem>> -> memref<64xi32, #tpu.memory_space<vmem>>
      %dma_wait3A_73 = arith.constant 0 : i32
      %dma_wait3A_74 = arith.constant 0 : i32
      %dma_wait3A_75 = tpu.memref_slice %arg2[%dma_wait3A_73, %dma_wait3A_74] : memref<10000x64xi32, #tpu.memory_space<hbm>> -> memref<10000x64xi32, #tpu.memory_space<hbm>>
      tpu.wait_indirect_dma semaphore(%arg15 : memref<!tpu.dma_semaphore, #tpu.memory_space<semaphore_mem>>) src(%dma_wait3A_75 : memref<10000x64xi32, #tpu.memory_space<hbm>>) dst(%arg11 : memref<64x64xi32, #tpu.memory_space<vmem>>)
      %parallel_loop3A_76 = arith.constant 0 : i32
      %parallel_loop3A_77 = arith.constant 64 : i32
      %parallel_loop3A_78 = arith.constant 1 : i32
      scf.for %parallel_loop3A_87 = %parallel_loop3A_76 to %parallel_loop3A_77 step %parallel_loop3A_78  : i32 {
        %parallel_loop3A_88 = arith.constant 16 : i32
        %parallel_loop3A_89 = arith.divsi %parallel_loop3A_87, %parallel_loop3A_88 : i32
        %parallel_loop3A_90 = arith.constant 0 : i32
        %parallel_loop3A_91 = arith.cmpi sgt, %parallel_loop3A_87, %parallel_loop3A_90 : i32
        %parallel_loop3A_92 = arith.extui %parallel_loop3A_91 : i1 to i32
        %parallel_loop3A_93 = arith.constant 0 : i32
        %parallel_loop3A_94 = arith.cmpi slt, %parallel_loop3A_87, %parallel_loop3A_93 : i32
        %parallel_loop3A_95 = arith.extui %parallel_loop3A_94 : i1 to i32
        %parallel_loop3A_96 = arith.subi %parallel_loop3A_92, %parallel_loop3A_95 : i32
        %parallel_loop3A_97 = arith.constant 0 : i32
        %parallel_loop3A_98 = arith.cmpi sgt, %parallel_loop3A_88, %parallel_loop3A_97 : i32
        %parallel_loop3A_99 = arith.extui %parallel_loop3A_98 : i1 to i32
        %parallel_loop3A_100 = arith.constant 0 : i32
        %parallel_loop3A_101 = arith.cmpi slt, %parallel_loop3A_88, %parallel_loop3A_100 : i32
        %parallel_loop3A_102 = arith.extui %parallel_loop3A_101 : i1 to i32
        %parallel_loop3A_103 = arith.subi %parallel_loop3A_99, %parallel_loop3A_102 : i32
        %parallel_loop3A_104 = arith.cmpi ne, %parallel_loop3A_96, %parallel_loop3A_103 : i32
        %parallel_loop3A_105 = arith.remsi %parallel_loop3A_87, %parallel_loop3A_88 : i32
        %parallel_loop3A_106 = arith.constant 0 : i32
        %parallel_loop3A_107 = arith.cmpi ne, %parallel_loop3A_105, %parallel_loop3A_106 : i32
        %parallel_loop3A_108 = arith.andi %parallel_loop3A_104, %parallel_loop3A_107 : i1
        %parallel_loop3A_109 = arith.constant 1 : i32
        %parallel_loop3A_110 = arith.subi %parallel_loop3A_89, %parallel_loop3A_109 : i32
        %parallel_loop3A_111 = arith.select %parallel_loop3A_108, %parallel_loop3A_110, %parallel_loop3A_89 : i32
        %parallel_loop3A_112 = arith.constant 16 : i32
        %parallel_loop3A_113 = arith.muli %parallel_loop3A_111, %parallel_loop3A_112 : i32
        %parallel_loop3A_114 = arith.index_cast %add3A_69 : i32 to index
        %parallel_loop3A_115 = arith.index_cast %parallel_loop3A_113 : i32 to index
        %parallel_loop3A_116 = tpu.vector_load %arg9[%parallel_loop3A_114, %parallel_loop3A_115] {strides = array<i32>} : memref<158x64xf32, #tpu.memory_space<vmem>>, vector<16xf32>,
        %parallel_loop3A_117 = arith.subi %parallel_loop3A_87, %parallel_loop3A_113 : i32
        %parallel_loop3A_118 = vector.broadcast %parallel_loop3A_117 : i32 to vector<16xi32>
        %parallel_loop3A_119 = arith.constant 0 : i32
        %parallel_loop3A_120 = vector.broadcast %parallel_loop3A_119 : i32 to vector<16xi32>
        %parallel_loop3A_121 = arith.cmpi slt, %parallel_loop3A_118, %parallel_loop3A_120 : vector<16xi32>
        %parallel_loop3A_122 = arith.constant 16 : i32
        %parallel_loop3A_123 = vector.broadcast %parallel_loop3A_122 : i32 to vector<16xi32>
        %parallel_loop3A_124 = arith.addi %parallel_loop3A_118, %parallel_loop3A_123 : vector<16xi32>
        %parallel_loop3A_125 = arith.select %parallel_loop3A_121, %parallel_loop3A_124, %parallel_loop3A_118 : vector<16xi1>, vector<16xi32>
        %parallel_loop3A_126 = vector.shape_cast %parallel_loop3A_125 : vector<16xi32> to vector<16x1xi32>
        %parallel_loop3A_127 = vector.shape_cast %parallel_loop3A_126 : vector<16x1xi32> to vector<16xi32>
        %parallel_loop3A_128 = tpu.dynamic_gather %parallel_loop3A_116[%parallel_loop3A_127] in [0] : vector<16xf32>, vector<16xi32> -> vector<16xf32>
        %parallel_loop3A_129 = arith.index_cast %parallel_loop3A_87 : i32 to index
        %parallel_loop3A_130 = arith.constant 0 : index
        %parallel_loop3A_131 = tpu.vector_load %arg11[%parallel_loop3A_129, %parallel_loop3A_130] {strides = array<i32>} : memref<64x64xi32, #tpu.memory_space<vmem>>, vector<16xi32>,
        %parallel_loop3A_132 = arith.constant 16 : i32
        %parallel_loop3A_133 = vector.broadcast %parallel_loop3A_132 : i32 to vector<16xi32>
        %parallel_loop3A_134 = arith.shli %parallel_loop3A_131, %parallel_loop3A_133 : vector<16xi32>
        %parallel_loop3A_135 = vector.bitcast %parallel_loop3A_134 : vector<16xi32> to vector<16xf32>
        %parallel_loop3A_136 = arith.constant -65536 : i32
        %parallel_loop3A_137 = vector.broadcast %parallel_loop3A_136 : i32 to vector<16xi32>
        %parallel_loop3A_138 = arith.andi %parallel_loop3A_131, %parallel_loop3A_137 : vector<16xi32>
        %parallel_loop3A_139 = vector.bitcast %parallel_loop3A_138 : vector<16xi32> to vector<16xf32>
        %parallel_loop3A_140 = arith.mulf %parallel_loop3A_135, %parallel_loop3A_128 : vector<16xf32>
        %parallel_loop3A_141 = arith.index_cast %parallel_loop3A_87 : i32 to index
        %parallel_loop3A_142 = arith.constant 0 : index
        %parallel_loop3A_143 = tpu.vector_load %arg12[%parallel_loop3A_141, %parallel_loop3A_142] {strides = array<i32>} : memref<64x128xf32, #tpu.memory_space<vmem>>, vector<16xf32>,
        tpu.vector_store %arg12[%parallel_loop3A_141, %parallel_loop3A_142], %parallel_loop3A_140 {strides = array<i32>} : memref<64x128xf32, #tpu.memory_space<vmem>>, vector<16xf32>,
        %parallel_loop3A_144 = arith.mulf %parallel_loop3A_139, %parallel_loop3A_128 : vector<16xf32>
        %parallel_loop3A_145 = arith.index_cast %parallel_loop3A_87 : i32 to index
        %parallel_loop3A_146 = arith.constant 16 : index
        %parallel_loop3A_147 = tpu.vector_load %arg12[%parallel_loop3A_145, %parallel_loop3A_146] {strides = array<i32>} : memref<64x128xf32, #tpu.memory_space<vmem>>, vector<16xf32>,
        tpu.vector_store %arg12[%parallel_loop3A_145, %parallel_loop3A_146], %parallel_loop3A_144 {strides = array<i32>} : memref<64x128xf32, #tpu.memory_space<vmem>>, vector<16xf32>,
        %parallel_loop3A_148 = arith.index_cast %parallel_loop3A_87 : i32 to index
        %parallel_loop3A_149 = arith.constant 16 : index
        %parallel_loop3A_150 = tpu.vector_load %arg11[%parallel_loop3A_148, %parallel_loop3A_149] {strides = array<i32>} : memref<64x64xi32, #tpu.memory_space<vmem>>, vector<16xi32>,
        %parallel_loop3A_151 = arith.constant 16 : i32
        %parallel_loop3A_152 = vector.broadcast %parallel_loop3A_151 : i32 to vector<16xi32>
        %parallel_loop3A_153 = arith.shli %parallel_loop3A_150, %parallel_loop3A_152 : vector<16xi32>
        %parallel_loop3A_154 = vector.bitcast %parallel_loop3A_153 : vector<16xi32> to vector<16xf32>
        %parallel_loop3A_155 = arith.constant -65536 : i32
        %parallel_loop3A_156 = vector.broadcast %parallel_loop3A_155 : i32 to vector<16xi32>
        %parallel_loop3A_157 = arith.andi %parallel_loop3A_150, %parallel_loop3A_156 : vector<16xi32>
        %parallel_loop3A_158 = vector.bitcast %parallel_loop3A_157 : vector<16xi32> to vector<16xf32>
        %parallel_loop3A_159 = arith.mulf %parallel_loop3A_154, %parallel_loop3A_128 : vector<16xf32>
        %parallel_loop3A_160 = arith.index_cast %parallel_loop3A_87 : i32 to index
        %parallel_loop3A_161 = arith.constant 32 : index
        %parallel_loop3A_162 = tpu.vector_load %arg12[%parallel_loop3A_160, %parallel_loop3A_161] {strides = array<i32>} : memref<64x128xf32, #tpu.memory_space<vmem>>, vector<16xf32>,
        tpu.vector_store %arg12[%parallel_loop3A_160, %parallel_loop3A_161], %parallel_loop3A_159 {strides = array<i32>} : memref<64x128xf32, #tpu.memory_space<vmem>>, vector<16xf32>,
        %parallel_loop3A_163 = arith.mulf %parallel_loop3A_158, %parallel_loop3A_128 : vector<16xf32>
        %parallel_loop3A_164 = arith.index_cast %parallel_loop3A_87 : i32 to index
        %parallel_loop3A_165 = arith.constant 48 : index
        %parallel_loop3A_166 = tpu.vector_load %arg12[%parallel_loop3A_164, %parallel_loop3A_165] {strides = array<i32>} : memref<64x128xf32, #tpu.memory_space<vmem>>, vector<16xf32>,
        tpu.vector_store %arg12[%parallel_loop3A_164, %parallel_loop3A_165], %parallel_loop3A_163 {strides = array<i32>} : memref<64x128xf32, #tpu.memory_space<vmem>>, vector<16xf32>,
        %parallel_loop3A_167 = arith.index_cast %parallel_loop3A_87 : i32 to index
        %parallel_loop3A_168 = arith.constant 32 : index
        %parallel_loop3A_169 = tpu.vector_load %arg11[%parallel_loop3A_167, %parallel_loop3A_168] {strides = array<i32>} : memref<64x64xi32, #tpu.memory_space<vmem>>, vector<16xi32>,
        %parallel_loop3A_170 = arith.constant 16 : i32
        %parallel_loop3A_171 = vector.broadcast %parallel_loop3A_170 : i32 to vector<16xi32>
        %parallel_loop3A_172 = arith.shli %parallel_loop3A_169, %parallel_loop3A_171 : vector<16xi32>
        %parallel_loop3A_173 = vector.bitcast %parallel_loop3A_172 : vector<16xi32> to vector<16xf32>
        %parallel_loop3A_174 = arith.constant -65536 : i32
        %parallel_loop3A_175 = vector.broadcast %parallel_loop3A_174 : i32 to vector<16xi32>
        %parallel_loop3A_176 = arith.andi %parallel_loop3A_169, %parallel_loop3A_175 : vector<16xi32>
        %parallel_loop3A_177 = vector.bitcast %parallel_loop3A_176 : vector<16xi32> to vector<16xf32>
        %parallel_loop3A_178 = arith.mulf %parallel_loop3A_173, %parallel_loop3A_128 : vector<16xf32>
        %parallel_loop3A_179 = arith.index_cast %parallel_loop3A_87 : i32 to index
        %parallel_loop3A_180 = arith.constant 64 : index
        %parallel_loop3A_181 = tpu.vector_load %arg12[%parallel_loop3A_179, %parallel_loop3A_180] {strides = array<i32>} : memref<64x128xf32, #tpu.memory_space<vmem>>, vector<16xf32>,
        tpu.vector_store %arg12[%parallel_loop3A_179, %parallel_loop3A_180], %parallel_loop3A_178 {strides = array<i32>} : memref<64x128xf32, #tpu.memory_space<vmem>>, vector<16xf32>,
        %parallel_loop3A_182 = arith.mulf %parallel_loop3A_177, %parallel_loop3A_128 : vector<16xf32>
        %parallel_loop3A_183 = arith.index_cast %parallel_loop3A_87 : i32 to index
        %parallel_loop3A_184 = arith.constant 80 : index
        %parallel_loop3A_185 = tpu.vector_load %arg12[%parallel_loop3A_183, %parallel_loop3A_184] {strides = array<i32>} : memref<64x128xf32, #tpu.memory_space<vmem>>, vector<16xf32>,
        tpu.vector_store %arg12[%parallel_loop3A_183, %parallel_loop3A_184], %parallel_loop3A_182 {strides = array<i32>} : memref<64x128xf32, #tpu.memory_space<vmem>>, vector<16xf32>,
        %parallel_loop3A_186 = arith.index_cast %parallel_loop3A_87 : i32 to index
        %parallel_loop3A_187 = arith.constant 48 : index
        %parallel_loop3A_188 = tpu.vector_load %arg11[%parallel_loop3A_186, %parallel_loop3A_187] {strides = array<i32>} : memref<64x64xi32, #tpu.memory_space<vmem>>, vector<16xi32>,
        %parallel_loop3A_189 = arith.constant 16 : i32
        %parallel_loop3A_190 = vector.broadcast %parallel_loop3A_189 : i32 to vector<16xi32>
        %parallel_loop3A_191 = arith.shli %parallel_loop3A_188, %parallel_loop3A_190 : vector<16xi32>
        %parallel_loop3A_192 = vector.bitcast %parallel_loop3A_191 : vector<16xi32> to vector<16xf32>
        %parallel_loop3A_193 = arith.constant -65536 : i32
        %parallel_loop3A_194 = vector.broadcast %parallel_loop3A_193 : i32 to vector<16xi32>
        %parallel_loop3A_195 = arith.andi %parallel_loop3A_188, %parallel_loop3A_194 : vector<16xi32>
        %parallel_loop3A_196 = vector.bitcast %parallel_loop3A_195 : vector<16xi32> to vector<16xf32>
        %parallel_loop3A_197 = arith.mulf %parallel_loop3A_192, %parallel_loop3A_128 : vector<16xf32>
        %parallel_loop3A_198 = arith.index_cast %parallel_loop3A_87 : i32 to index
        %parallel_loop3A_199 = arith.constant 96 : index
        %parallel_loop3A_200 = tpu.vector_load %arg12[%parallel_loop3A_198, %parallel_loop3A_199] {strides = array<i32>} : memref<64x128xf32, #tpu.memory_space<vmem>>, vector<16xf32>,
        tpu.vector_store %arg12[%parallel_loop3A_198, %parallel_loop3A_199], %parallel_loop3A_197 {strides = array<i32>} : memref<64x128xf32, #tpu.memory_space<vmem>>, vector<16xf32>,
        %parallel_loop3A_201 = arith.mulf %parallel_loop3A_196, %parallel_loop3A_128 : vector<16xf32>
        %parallel_loop3A_202 = arith.index_cast %parallel_loop3A_87 : i32 to index
        %parallel_loop3A_203 = arith.constant 112 : index
        %parallel_loop3A_204 = tpu.vector_load %arg12[%parallel_loop3A_202, %parallel_loop3A_203] {strides = array<i32>} : memref<64x128xf32, #tpu.memory_space<vmem>>, vector<16xf32>,
        tpu.vector_store %arg12[%parallel_loop3A_202, %parallel_loop3A_203], %parallel_loop3A_201 {strides = array<i32>} : memref<64x128xf32, #tpu.memory_space<vmem>>, vector<16xf32>,
      } {sc.loop_unroll_factor = 8 : i64, sc.parallel_access}
      %add3A_79 = arith.constant 2 : i32
      %add3A_80 = arith.addi %add3A_69, %add3A_79 : i32
      %lt3A_81 = arith.constant 158 : i32
      %lt3A_82 = arith.cmpi slt, %add3A_80, %lt3A_81 : i32
      %convert_element_type3A_83 = arith.extui %lt3A_82 : i1 to i32
      %cond3A_84 = arith.constant 0 : i32
      %cond3A_85 = arith.cmpi ne, %convert_element_type3A_83, %cond3A_84 : i32
      scf.if %cond3A_85 {
        %add3A_87 = arith.constant 2 : i32
        %add3A_88 = arith.addi %add3A_69, %add3A_87 : i32
        %dma_start3A_89 = arith.constant 0 : i32
        %dma_start3A_90 = tpu.memref_slice %arg7[%add3A_88, %dma_start3A_89] : memref<158x64xi32, #tpu.memory_space<vmem>> -> memref<1x64xi32, #tpu.memory_space<vmem>>
        %dma_start3A_91 = tpu.memref_squeeze %dma_start3A_90 : memref<1x64xi32, #tpu.memory_space<vmem>> -> memref<64xi32, #tpu.memory_space<vmem>>
        %dma_start3A_92 = arith.constant 0 : i32
        %dma_start3A_93 = arith.constant 0 : i32
        %dma_start3A_94 = tpu.memref_slice %arg2[%dma_start3A_92, %dma_start3A_93] : memref<10000x64xi32, #tpu.memory_space<hbm>> -> memref<10000x64xi32, #tpu.memory_space<hbm>>
        tpu.enqueue_indirect_dma source(%dma_start3A_94 : memref<10000x64xi32, #tpu.memory_space<hbm>>) target(%arg11 : memref<64x64xi32, #tpu.memory_space<vmem>>) offsets(%dma_start3A_91 : memref<64xi32, #tpu.memory_space<vmem>>) semaphore(%arg15 : memref<!tpu.dma_semaphore, #tpu.memory_space<semaphore_mem>>)
      } else {
      }
      "tpu.region"() ({
        %run_scoped3A = tpu.sem_alloc : memref<!tpu.dma_semaphore, #tpu.memory_space<semaphore_mem>>
        %dma_start3A_87 = arith.constant 0 : i32
        %dma_start3A_88 = tpu.memref_slice %arg8[%add3A_69, %dma_start3A_87] : memref<158x64xi32, #tpu.memory_space<vmem>> -> memref<1x64xi32, #tpu.memory_space<vmem>>
        %dma_start3A_89 = tpu.memref_squeeze %dma_start3A_88 : memref<1x64xi32, #tpu.memory_space<vmem>> -> memref<64xi32, #tpu.memory_space<vmem>>
        %dma_start3A_90 = arith.constant 0 : i32
        %dma_start3A_91 = arith.constant 0 : i32
        %dma_start3A_92 = tpu.memref_slice %arg13[%dma_start3A_90, %dma_start3A_91] : memref<10112x128xf32, #tpu.memory_space<vmem_shared>> -> memref<10112x128xf32, #tpu.memory_space<vmem_shared>>
        tpu.enqueue_indirect_dma source(%arg12 : memref<64x128xf32, #tpu.memory_space<vmem>>) target(%dma_start3A_92 : memref<10112x128xf32, #tpu.memory_space<vmem_shared>>) offsets(%dma_start3A_89 : memref<64xi32, #tpu.memory_space<vmem>>) semaphore(%run_scoped3A : memref<!tpu.dma_semaphore, #tpu.memory_space<semaphore_mem>>) {add = true}
        %dma_wait3A_93 = arith.constant 0 : i32
        %dma_wait3A_94 = tpu.memref_slice %arg8[%add3A_69, %dma_wait3A_93] : memref<158x64xi32, #tpu.memory_space<vmem>> -> memref<1x64xi32, #tpu.memory_space<vmem>>
        %dma_wait3A_95 = tpu.memref_squeeze %dma_wait3A_94 : memref<1x64xi32, #tpu.memory_space<vmem>> -> memref<64xi32, #tpu.memory_space<vmem>>
        %dma_wait3A_96 = arith.constant 0 : i32
        %dma_wait3A_97 = arith.constant 0 : i32
        %dma_wait3A_98 = tpu.memref_slice %arg13[%dma_wait3A_96, %dma_wait3A_97] : memref<10112x128xf32, #tpu.memory_space<vmem_shared>> -> memref<10112x128xf32, #tpu.memory_space<vmem_shared>>
        tpu.wait_indirect_dma semaphore(%run_scoped3A : memref<!tpu.dma_semaphore, #tpu.memory_space<semaphore_mem>>) src(%arg12 : memref<64x128xf32, #tpu.memory_space<vmem>>) dst(%dma_wait3A_98 : memref<10112x128xf32, #tpu.memory_space<vmem_shared>>)
        tpu.yield
      }) : () -> ()
      %scan3A_86 = arith.constant 0 : i32
      scf.yield %scan3A_86 : i32
    }
    %scan3A_49 = arith.constant 79 : i32
    %barrier3A_50 = arith.constant 0 : index
    tpu.barrier barrier_id(%barrier3A_50)
    "tpu.region"() ({
      %run_scoped3A = tpu.sem_alloc : memref<!tpu.dma_semaphore, #tpu.memory_space<semaphore_mem>>
      %dma_start3A_51 = arith.constant 0 : i32
      %dma_start3A_52 = tpu.memref_slice %arg6[%arg0, %mul3A_8, %dma_start3A_51] : memref<2x10112x128xf32, #tpu.memory_space<hbm>> -> memref<1x632x128xf32, #tpu.memory_space<hbm>>
      %dma_start3A_53 = tpu.memref_squeeze %dma_start3A_52 : memref<1x632x128xf32, #tpu.memory_space<hbm>> -> memref<632x128xf32, #tpu.memory_space<hbm>>
      %dma_start3A_54 = arith.constant 0 : i32
      %dma_start3A_55 = tpu.memref_slice %arg13[%mul3A_8, %dma_start3A_54] : memref<10112x128xf32, #tpu.memory_space<vmem_shared>> -> memref<632x128xf32, #tpu.memory_space<vmem_shared>>
      tpu.enqueue_dma source(%dma_start3A_55 : memref<632x128xf32, #tpu.memory_space<vmem_shared>>) target(%dma_start3A_53 : memref<632x128xf32, #tpu.memory_space<hbm>>) target_semaphore(%run_scoped3A : memref<!tpu.dma_semaphore, #tpu.memory_space<semaphore_mem>>)
      %dma_wait3A = arith.constant 0 : i32
      %dma_wait3A_56 = tpu.memref_slice %arg6[%arg0, %mul3A_8, %dma_wait3A] : memref<2x10112x128xf32, #tpu.memory_space<hbm>> -> memref<1x632x128xf32, #tpu.memory_space<hbm>>
      %dma_wait3A_57 = tpu.memref_squeeze %dma_wait3A_56 : memref<1x632x128xf32, #tpu.memory_space<hbm>> -> memref<632x128xf32, #tpu.memory_space<hbm>>
      %dma_wait3A_58 = arith.constant 0 : i32
      %dma_wait3A_59 = tpu.memref_slice %arg13[%mul3A_8, %dma_wait3A_58] : memref<10112x128xf32, #tpu.memory_space<vmem_shared>> -> memref<632x128xf32, #tpu.memory_space<vmem_shared>>
      tpu.wait_dma2 semaphore(%run_scoped3A : memref<!tpu.dma_semaphore, #tpu.memory_space<semaphore_mem>>) src(%dma_wait3A_59 : memref<632x128xf32, #tpu.memory_space<vmem_shared>>) dst(%dma_wait3A_57 : memref<632x128xf32, #tpu.memory_space<hbm>>)
      tpu.yield
    }) : () -> ()
    return
  }
}

module attributes {stable_mosaic.version = 14 : i64} {
  func.func @_combine_body(%arg0: i32, %arg1: memref<2x1000x128xf32, #tpu.memory_space<vmem>>, %arg2: memref<128x128xf32, #tpu.memory_space<vmem>>, %arg3: memref<1x128xf32, #tpu.memory_space<vmem>>, %arg4: memref<1000x128xf32, #tpu.memory_space<vmem>>) attributes {dimension_semantics = [#tpu.dimension_semantics<arbitrary>], iteration_bounds = array<i64: 10>, scalar_prefetch = 0 : i64, scratch_operands = 0 : i64, tpu.core_type = #tpu.core_type<tc>, window_params = [{transform_indices = @transform_0, window_bounds = array<i64: 2, 1000, 128>}, {pipeline_mode = #tpu.pipeline_mode<synchronous>, transform_indices = @transform_1, window_bounds = array<i64: 128, 128>}, {pipeline_mode = #tpu.pipeline_mode<synchronous>, transform_indices = @transform_2, window_bounds = array<i64: 1, 128>}, {transform_indices = @transform_3, window_bounds = array<i64: 1000, 128>}]} {
    %get3A = arith.constant 0 : index
    %get3A_0 = arith.constant 0 : index
    %get3A_1 = arith.constant 0 : index
    %get3A_2 = vector.load %arg1[%get3A, %get3A_0, %get3A_1] : memref<2x1000x128xf32, #tpu.memory_space<vmem>>, vector<1x1000x128xf32>
    %get3A_3 = vector.shape_cast %get3A_2 : vector<1x1000x128xf32> to vector<1000x128xf32>
    %get3A_4 = arith.constant 1 : index
    %get3A_5 = arith.constant 0 : index
    %get3A_6 = arith.constant 0 : index
    %get3A_7 = vector.load %arg1[%get3A_4, %get3A_5, %get3A_6] : memref<2x1000x128xf32, #tpu.memory_space<vmem>>, vector<1x1000x128xf32>
    %get3A_8 = vector.shape_cast %get3A_7 : vector<1x1000x128xf32> to vector<1000x128xf32>
    %add3A = arith.addf %get3A_3, %get3A_8 : vector<1000x128xf32>
    %get3A_9 = arith.constant 0 : index
    %get3A_10 = arith.constant 0 : index
    %get3A_11 = vector.load %arg2[%get3A_9, %get3A_10] : memref<128x128xf32, #tpu.memory_space<vmem>>, vector<128x128xf32>
    %dot_general3A = arith.constant dense<0.000000e+00> : vector<1000x128xf32>
    %dot_general3A_12 = tpu.matmul %add3A, %get3A_11, %dot_general3A {dimension_numbers = #tpu.dot_dimension_numbers<[1], [0], [0], [1], [0, 0, 1, 1], [], []>, transpose_lhs_hint = false} : vector<1000x128xf32>, vector<128x128xf32>, vector<1000x128xf32> -> vector<1000x128xf32>
    %get3A_13 = arith.constant 0 : index
    %get3A_14 = arith.constant 0 : index
    %get3A_15 = vector.load %arg3[%get3A_13, %get3A_14] : memref<1x128xf32, #tpu.memory_space<vmem>>, vector<1x128xf32>
    %add3A_16 = vector.broadcast %get3A_15 : vector<1x128xf32> to vector<1000x128xf32>
    %add3A_17 = arith.addf %dot_general3A_12, %add3A_16 : vector<1000x128xf32>
    %swap3A = arith.constant 0 : index
    %swap3A_18 = arith.constant 0 : index
    %swap3A_19 = vector.load %arg4[%swap3A, %swap3A_18] : memref<1000x128xf32, #tpu.memory_space<vmem>>, vector<1000x128xf32>
    tpu.vector_store %arg4[%swap3A, %swap3A_18], %add3A_17 {strides = array<i32>} : memref<1000x128xf32, #tpu.memory_space<vmem>>, vector<1000x128xf32>,
    return
  }
  func.func @transform_0(%arg0: i32) -> (i32, i32, i32) {
    %c0_i32 = arith.constant 0 : i32
    %c0_i32_0 = arith.constant 0 : i32
    %c0_i32_1 = arith.constant 0 : i32
    return %c0_i32, %arg0, %c0_i32_0 : i32, i32, i32
  }
  func.func @transform_1(%arg0: i32) -> (i32, i32) {
    %c0_i32 = arith.constant 0 : i32
    %c0_i32_0 = arith.constant 0 : i32
    %c0_i32_1 = arith.constant 0 : i32
    return %c0_i32, %c0_i32_0 : i32, i32
  }
  func.func @transform_2(%arg0: i32) -> (i32, i32) {
    %c0_i32 = arith.constant 0 : i32
    %c0_i32_0 = arith.constant 0 : i32
    %c0_i32_1 = arith.constant 0 : i32
    return %c0_i32, %c0_i32_0 : i32, i32
  }
  func.func @transform_3(%arg0: i32) -> (i32, i32) {
    %c0_i32 = arith.constant 0 : i32
    %c0_i32_0 = arith.constant 0 : i32
    return %arg0, %c0_i32 : i32, i32
  }
}

</mosaic_0001>

<sc_bundles>
// kernel: kernel.4.cloned.1.call-start
scs
__scs_entry_jumppad:
0x0: {  	(pc) =	sbr.rel $0x88, $3  }
0x1: {  	(tag) =	ssettag $0x0;
	lr =	simm.s32 $0x1  }
0x2: {  	[smem:$0x3F9C] =	sst lr;
	_ =	strace $0xD0000000  }
0x3: {  	_ = 	snop  }
0x4: {  	_ = 	snop  }
0x5: {  	_ = 	snop  }
0x6: {  	_ = 	snop  }
0x7: {  	_ = 	snop  }
__scs_overlays_trampoline_lowered:
0x8: {  	[smem:$0x3FAB] =	sst s0  }
0x9: {  	[smem:$0x3FAC] =	sst s1  }
0xa: {  	[smem:$0x3FAD] =	sst s2  }
0xb: {  	[smem:$0x3FAE] =	sst s3  }
0xc: {  	[smem:$0x3FAF] =	sst s4  }
0xd: {  	[smem:$0x3FB0] =	sst s5  }
0xe: {  	[smem:$0x3FB1] =	sst s6  }
0xf: {  	[smem:$0x3FB2] =	sst s7  }
0x10: {  	[smem:$0x3FB3] =	sst s8  }
0x11: {  	[smem:$0x3FB4] =	sst s9;
	s0 =	simm.s32 @!p0 $0x0  }
0x12: {  	s1 =	sld [smem:$0x3F9A];
	s0 =	simm.s32 @p0 $0x1  }
0x13: {  	[smem:$0x3FB5] =	sst s0;
	s0 =	simm.s32 @!p1 $0x0  }
0x14: {  	s2 =	sld [smem:$0x3F99];
	s0 =	simm.s32 @p1 $0x1  }
0x15: {  	[smem:$0x3FB6] =	sst s0;
	s0 =	simm.s32 @!p2 $0x0  }
0x16: {  	s3 =	sld [smem:$0x3FDB];
	s0 =	simm.s32 @p2 $0x1  }
0x17: {  	s4 =	simm.s32 $0x1BF5;
	[smem:$0x3FB8] =	sst s0  }
0x18: {  	s0 =	sld [smem:$0x3F9B];
	_ =	swait.ge [sflag:s4], $0x0  }
0x19: {  	s7 =	sld [smem:$0x3F9C]  }
0x1a: {  	s8 =	sadd.s32 $0xFFFFE003, lr  }
0x1b: {  	s9 =	sadd.s32 $0xFFFFFEF7, lr;
	s5 =	simm.s32 $0xFFFFFFFF;
	p2 =	slt.u32 s8, $0xFFFFF086  }
0x1c: {  	p1 =	slt.u32 s9, $0xF7A;
	s5 =	simm.s32 @!p2 $0x0  }
0x1d: {  	s5 =	simm.s32 @p1 $0x1;
	p0 =	seq.s32 s7, s2  }
0x1e: {  	s7 =	smul.u32 @!p0 $0xF7A, s2;
	p2 =	seq.s32 @!p0 s5, $0x0  }
0x1f: {  	s9 =	smul.u32 $0xF7A, s1;
	s8 =	simm.s32 @!p0 $0x1BF5;
	p2 =	por !p2, p0  }
0x20: {  	[sflag:s8] =	ssyncset.s32 @!p0 $0xFFFFF086;
	s6 =	sadd.s32 @!p0 s3, s7;
	s7 =	simm.s32 @!p0 $0x108  }
0x21: {  	s3 =	sadd.s32 s3, s9;
	s6 =	sadd.s32 @!p0 $0x88, s6;
	s7 =	simm.s32 @p2 $0x1082  }
0x22: {  	[simem:s7], [sflag:s8] =	dma.local @!p0 [hbm:s6], $0xF7A  }
0x23: {  	s9 =	sor.u32 $0xD0000000, s2;
	s6 =	simm.s32 $0x108;
	_ =	swait.ge @!p0 [sflag:s8], $0x0  }
0x24: {  	s3 =	sadd.s32 $0x88, s3;
	s6 =	simm.s32 @!p1 $0x1082;
	[sflag:s4] =	ssyncset.s32 $0xFFFFF086  }
0x25: {  	[simem:s6], [sflag:s4] =	dma.local [hbm:s3], $0xF7A  }
0x26: {  	[smem:$0x3F9C] =	sst s1;
	(tag) =	ssettag s2;
	_ =	strace s9  }
0x27: {  	s1 =	sld [smem:$0x3FAC]  }
0x28: {  	s2 =	sld [smem:$0x3FAD]  }
0x29: {  	s4 =	sld [smem:$0x3FAF]  }
0x2a: {  	p0 =	seq.s32 s5, $0x0;
	s5 =	sld [smem:$0x3FB0]  }
0x2b: {  	s6 =	sld [smem:$0x3FB1]  }
0x2c: {  	s7 =	sld [smem:$0x3FB2]  }
0x2d: {  	s3 =	simm.s32 $0x108;
	s8 =	sld [smem:$0x3FB3]  }
0x2e: {  	s3 =	simm.s32 @!p0 $0x1082;
	s9 =	sld [smem:$0x3FB4]  }
0x2f: {  	lr =	sadd.s32 s0, s3;
	s0 =	sld [smem:$0x3FAB]  }
0x30: {  	s3 =	sld [smem:$0x3FAE]  }
0x31: {  	[smem:$0x3FB7] =	sst s10  }
0x32: {  	s10 =	sld [smem:$0x3FB5];
	_ =	sdelay $0x3  }
0x33: {  	p0 =	seq.s32 s10, $0x1;
	s10 =	sld [smem:$0x3FB7];
	_ =	sdelay $0x3  }
0x34: {  	[smem:$0x3FB7] =	sst s10  }
0x35: {  	s10 =	sld [smem:$0x3FB6];
	_ =	sdelay $0x3  }
0x36: {  	p1 =	seq.s32 s10, $0x1;
	s10 =	sld [smem:$0x3FB7];
	_ =	sdelay $0x3  }
0x37: {  	[smem:$0x3FB7] =	sst s10  }
0x38: {  	s10 =	sld [smem:$0x3FB8]  }
0x39: {  	_ = 	snop;
	(pc) =	sbr.ind lr, $3  }
0x3a: {  	_ = 	snop  }
0x3b: {  	_ = 	snop  }
0x3c: {  	p2 =	seq.s32 s10, $0x1;
	s10 =	sld [smem:$0x3FB7]  }
0x3d: {  	_ =	shalt  }
0x3e: {  	_ =	shalt  }
0x3f: {  	_ =	shalt  }
0x40: {  	_ =	shalt  }
0x41: {  	_ =	shalt  }
0x42: {  	_ =	shalt  }
0x43: {  	_ =	shalt  }
0x44: {  	_ =	shalt  }
0x45: {  	_ =	shalt  }
0x46: {  	_ =	shalt  }
0x47: {  	_ =	shalt  }
0x48: {  	_ =	shalt  }
0x49: {  	_ =	shalt  }
0x4a: {  	_ =	shalt  }
0x4b: {  	_ =	shalt  }
0x4c: {  	_ =	shalt  }
0x4d: {  	_ =	shalt  }
0x4e: {  	_ =	shalt  }
0x4f: {  	_ =	shalt  }
0x50: {  	_ =	shalt  }
0x51: {  	_ =	shalt  }
0x52: {  	_ =	shalt  }
0x53: {  	_ =	shalt  }
0x54: {  	_ =	shalt  }
0x55: {  	_ =	shalt  }
0x56: {  	_ =	shalt  }
0x57: {  	_ =	shalt  }
0x58: {  	_ =	shalt  }
0x59: {  	_ =	shalt  }
0x5a: {  	_ =	shalt  }
0x5b: {  	_ =	shalt  }
0x5c: {  	_ =	shalt  }
0x5d: {  	_ =	shalt  }
0x5e: {  	_ =	shalt  }
0x5f: {  	_ =	shalt  }
0x60: {  	_ =	shalt  }
0x61: {  	_ =	shalt  }
0x62: {  	_ =	shalt  }
0x63: {  	_ =	shalt  }
0x64: {  	_ =	shalt  }
0x65: {  	_ =	shalt  }
0x66: {  	_ =	shalt  }
0x67: {  	_ =	shalt  }
0x68: {  	_ =	shalt  }
0x69: {  	_ =	shalt  }
0x6a: {  	_ =	shalt  }
0x6b: {  	_ =	shalt  }
0x6c: {  	_ =	shalt  }
0x6d: {  	_ =	shalt  }
0x6e: {  	_ =	shalt  }
0x6f: {  	_ =	shalt  }
0x70: {  	_ =	shalt  }
0x71: {  	_ =	shalt  }
0x72: {  	_ =	shalt  }
0x73: {  	_ =	shalt  }
0x74: {  	_ =	shalt  }
0x75: {  	_ =	shalt  }
0x76: {  	_ =	shalt  }
0x77: {  	_ =	shalt  }
0x78: {  	_ =	shalt  }
0x79: {  	_ =	shalt  }
0x7a: {  	_ =	shalt  }
0x7b: {  	_ =	shalt  }
0x7c: {  	_ =	shalt  }
0x7d: {  	_ =	shalt  }
0x7e: {  	_ =	shalt  }
0x7f: {  	_ =	shalt  }
0x80: {  	_ =	shalt  }
0x81: {  	_ =	shalt  }
0x82: {  	_ =	shalt  }
0x83: {  	_ =	shalt  }
0x84: {  	_ =	shalt  }
0x85: {  	_ =	shalt  }
0x86: {  	_ =	shalt  }
0x87: {  	_ =	shalt  }
.Lfunc_end0:
.L_simem_size_0:
called_computation_lowered:
.L_overlay_start_0:
0x88: {  	s2 =	sld [smem:$0x3FD9]  }
0x89: {  	s3 =	sld [smem:$0x3FFE];
	_ =	sdelay $0x1  }
0x8a: {  	s1 =	srdreg.scid  }
0x8b: {  	s0 =	sand.u32 $0x1, s1  }
0x8c: {  	s17 =	sshll.u32 s0, $0xA;
	s2 =	sadd.s32 s3, s2  }
0x8d: {  	s2 =	sadd.s32 s2, s17  }
0x8e: {  	[smem:$0x3FC3] =	sst s2  }
0x8f: {  	_ = 	snop  }
0x90: {  	s2 =	sld [smem:$0x3FD0];
	(tm) =	ssettm $0x1  }
0x91: {  	s18 =	sld [smem:$0x3FFB];
	_ =	sdelay $0x3  }
0x92: {  	_ =	strace s18  }
0x93: {  	s3 =	sld [smem:$0x3FFC];
	_ =	sdelay $0x3  }
0x94: {  	_ =	strace s3  }
0x95: {  	s3 =	sld [smem:$0x3FFD];
	_ =	sdelay $0x3  }
0x96: {  	_ =	strace s3  }
0x97: {  	_ =	strace $0x8FFFFFFF  }
0x98: {  	s19 =	sld [smem:$0x3FDB];
	_ =	sdelay $0x1  }
0x99: {  	s4 =	simm.s32 $_scs_section_size  }
0x9a: {  	s5 =	simm.s32 $_size__tile_overlayer_lowered;
	s6 =	simm.s32 $_tile_overlayer_lowered  }
0x9b: {  	s22 =	simm.s32 $0x1BFF;
	s21 =	sshll.u32 s6, $0x1;
	s3 =	sadd.s32 s4, s19  }
0x9c: {  	s7 =	simm.s32 $0x0;
	s20 =	sshll.u32 s5, $0x1;
	s5 =	sadd.s32 s21, s3  }
0x9d: {  	[timem:s7], [sflag:s22] =	dma.local [hbm:s5], s20  }
0x9e: {  	_ =	swait.ge [sflag:s22], s20  }
0x9f: {  	s4 =	ssub.s32 $0x0, s20;
	[sflag:s22] =	ssyncset.done $0x0  }
0xa0: {  	[sflag:s22] =	ssyncadd.s32 s4;
	_ =	sdelay $0x1  }
0xa1: {  	s23 =	simm.s32 $0x1B8B  }
0xa2: {  	_ =	swait.ge [sflag:s23], $0x1  }
0xa3: {  	[sflag:s23] =	ssyncset.done $0x0  }
0xa4: {  	s25 =	simm.s32 $0x1B8E;
	s24 =	sld [smem:$0x3FFE];
	[sflag:s23] =	ssyncadd.s32 $0xFFFFFFFF  }
0xa5: {  	s26 =	simm.s32 $execute0_lowered;
	[smem:$0x3FD2] =	sst s25  }
0xa6: {  	s5 =	sshll.u32 s26, $0x1;
	_ =	strace $0x80000046;
	[dreg:$0x1] =	wrdreg $0xFFFFFFFF  }
0xa7: {  	s28 =	simm.s32 $_size_execute0_lowered;
	s3 =	sadd.s32 s3, s5;
	[dreg:$0x0] =	wrdreg $0x0  }
0xa8: {  	s5 =	sshll.u32 s28, $0x1;
	[dreg:$0x2] =	wrdreg s3  }
0xa9: {  	[dreg:$0x3] =	wrdreg s5  }
0xaa: {  	[dreg:$0x4] =	wrdreg $0xC0  }
0xab: {  	_ =	task [dreg:s7], $0x5FFFF  }
0xac: {  	[dreg:$0x1] =	wrdreg $0xFFFFFFFF  }
0xad: {  	[dreg:$0x0] =	wrdreg $0x60  }
0xae: {  	[dreg:$0x2] =	wrdreg s2  }
0xaf: {  	[dreg:$0x3] =	wrdreg s24  }
0xb0: {  	[dreg:$0x4] =	wrdreg $0xB6800  }
0xb1: {  	[dreg:$0x5] =	wrdreg $0x9  }
0xb2: {  	_ =	task.clear_ibuf [dreg:s7], $0x6FFFF;
	_ =	strace $0x90000046  }
0xb3: {  	s29 =	simm.s32 $0x9;
	_ =	strace $0x80000048  }
0xb4: {  	_ =	swait.ge [sflag:s29], $0x1  }
0xb5: {  	[sflag:s29] =	ssyncadd.s32 $0xFFFFFFFF  }
0xb6: {  	_ =	strace $0x90000048  }
0xb7: {  	_ =	sfence  }
0xb8: {  	s30 =	sld [smem:$0x0];
	_ =	sdelay $0x2  }
0xb9: {  	s31 =	sshll.u32 s1, $0xD;
	s1 =	sshrl.u32 s1, $0x2  }
0xba: {  	s3 =	sand.u32 $0x4000, s31;
	s1 =	sadd.s32 s1, s30  }
0xbb: {  	s0 =	sor.u32 s3, s0;
	s1 =	sshll.u32 s1, $0x11  }
0xbc: {  	s0 =	sor.u32 s1, s0  }
0xbd: {  	s0 =	sadd.s32 $0x8F2B, s0  }
0xbe: {  	[sflag:s0] =	ssyncadd.remote.s32 $0x1  }
0xbf: {  	_ =	sfence.sel $0xFFFF  }
0xc0: {  	[dreg:$0x0] =	wrdreg $0xFFFFFFFF;
	(pc) =	sbr.abs _section_cstart, $3  }
0xc1: {  	[dreg:$0x1] =	wrdreg $0xFFFFFFFF  }
0xc2: {  	_ =	task.clear_ibuf [dreg:s7], $0x2FFFF;
	_ =	strace $0x9FFFFFFF  }
0xc3: {  	(tm) =	ssettm $0x7FFFFFFF  }
tec
execute0_lowered:
.L_overlay_start_1:
0x0: {  	(tag) =	ssettag $0x1  }
0x1: {  	s2 =	rddreg [dreg:$0x0]  }
0x2: {  	s0 =	rddreg [dreg:$0x1]  }
0x3: {  	s3 =	rddreg [dreg:$0x2]  }
0x4: {  	s1 =	srdreg.scid;
	s8 =	stileid.u32  }
0x5: {  	s4 =	simm.s32 $0x0;
	s28 =	simm.s32 $0x1;
	s29 =	simm.s32 $0x2  }
0x6: {  	s30 =	simm.s32 $0x0;
	s31 =	simm.s32 $0x0;
	s6 =	smul.u32 $0x13C00, s8  }
0x7: {  	s1 =	sand.u32 $0x1, s1;
	s7 =	sshll.u32 s8, $0x1;
	s8 =	smul.u32 $0x4F000, s8  }
0x8: {  	[smem:$0x7FF] =	sst s4;
	s5 =	smul.u32 $0x13C000, s1;
	s7 =	sor.u32 s1, s7  }
0x9: {  	_ =	strace $0x80000047;
	s1 =	ssub.s32 $0x2, s1;
	s7 =	smul.u32 $0x4F0, s7  }
0xa: {  	s10 =	sshrl.u32 s1, $0x1;
	s20 =	sshrl.u32 s8, $0x2;
	s8 =	sadd.s32 s6, s3  }
0xb: {  	s5 =	sadd.s32 s6, s5;
	s14 =	ssub.s32 s1, s10;
	s1 =	sadd.s32 s20, s3  }
0xc: {  	s20 =	simm.s32 $0x3;
	s5 =	sshrl.u32 s5, $0x3;
	s21 =	sadd.s32 $0x2000, s1  }
0xd: {  	s22 =	sadd.s32 $0x4000, s1;
	s23 =	sadd.s32 $0x6000, s1;
	[dreg:$0x6] =	wrdreg s21  }
0xe: {  	s24 =	sadd.s32 $0x8000, s1;
	s25 =	sadd.s32 $0xA000, s1;
	[dreg:$0x7] =	wrdreg s22  }
0xf: {  	s26 =	sadd.s32 $0xC000, s1;
	s15 =	sadd.s32 $0xE000, s1;
	[dreg:$0x8] =	wrdreg s23  }
0x10: {  	s16 =	sadd.s32 $0x10000, s1;
	s17 =	sadd.s32 $0x12000, s1;
	[dreg:$0x9] =	wrdreg s24  }
0x11: {  	s9 =	sadd.s32 s5, s0;
	s5 =	sadd.s32 s0, s7;
	[dreg:$0xa] =	wrdreg s25  }
0x12: {  	[dreg:$0xb] =	wrdreg s26;
	s23 =	simm.s32 $0x9680;
	s19 =	sadd.s32 $0x9E00, s5  }
0x13: {  	s24 =	simm.s32 $0x40;
	s7 =	sadd.s32 $0x13C00, s5;
	[dreg:$0x4] =	wrdreg s19  }
0x14: {  	v0 =	vimm.f32 $0.0e+00;
	s18 =	sadd.s32 $0x1DA00, s9;
	[dreg:$0x5] =	wrdreg s7;
	s19 =	smax.u32 s14, $0x1  }
.LBB2_1:
0x15: {  	s0 =	rddreg [dreg:$0x4]  }
0x16: {  	[tilespmem:s4], [sflag:$0x3] =	stream.linear.gather [hbm4b:s0+s4], $0x2780, $0x38;
	[tilespmem:$0x1F280] =	vst v63  }
0x17: {  	_ =	swait.ge [sflag:s20], $0x2780  }
0x18: {  	[sflag:s20] =	ssyncset.done $0x0  }
0x19: {  	s25 =	simm.s32 $0x2780;
	[sflag:s20] =	ssyncadd.s32 $0xFFFFD880  }
0x1a: {  	[tilespmem:s25], [sflag:$0x3] =	stream.linear.gather [hbm4b:s5+s4], $0x2780, $0x38;
	[tilespmem:$0x1F280] =	vst v63  }
0x1b: {  	_ =	swait.ge [sflag:s20], $0x2780  }
0x1c: {  	[sflag:s20] =	ssyncset.done $0x0  }
0x1d: {  	s1 =	simm.s32 $0x4F00;
	s26 =	rddreg [dreg:$0x5];
	[sflag:s20] =	ssyncadd.s32 $0xFFFFD880  }
0x1e: {  	[tilespmem:s1], [sflag:$0x3] =	stream.linear.gather [hbm4b:s26+s4], $0x2780, $0x38;
	[tilespmem:$0x1F280] =	vst v63  }
0x1f: {  	_ =	swait.ge [sflag:s20], $0x2780  }
0x20: {  	[sflag:s20] =	ssyncset.done $0x0  }
0x21: {  	s0 =	simm.s32 $0x0;
	s1 =	simm.s32 $0x200;
	[sflag:s20] =	ssyncadd.s32 $0xFFFFD880  }
.LBB2_2:
0x22: {  	p0 =	sne.s32 s1, $0x7E00;
	[tilespmem:s0+$0x96F0] =	vst v0  }
0x23: {  	[tilespmem:s0+$0x9680] =	vst v0  }
0x24: {  	[tilespmem:s0+$0x9690] =	vst v0  }
.Ltmp0:
0x25: {  	[tilespmem:s0+$0x96A0] =	vst v0;
	(pc) =	sbr.rel @p0 .LBB2_2-.Ltmp0, $4  }
0x26: {  	[tilespmem:s0+$0x96B0] =	vst v0  }
0x27: {  	[tilespmem:s0+$0x96C0] =	vst v0  }
0x28: {  	[tilespmem:s0+$0x96D0] =	vst v0  }
0x29: {  	[tilespmem:s0+$0x96E0] =	vst v0;
	s0 =	sshra.s32 s1, $0x2;
	s1 =	sadd.s32 $0x200, s1  }
0x2a: {  	[tilespmem:s0+$0x96F0] =	vst v0  }
0x2b: {  	[tilespmem:s0+$0x9680] =	vst v0  }
0x2c: {  	[tilespmem:s0+$0x9690] =	vst v0  }
0x2d: {  	[tilespmem:s0+$0x96A0] =	vst v0  }
0x2e: {  	[tilespmem:s0+$0x96B0] =	vst v0  }
0x2f: {  	[tilespmem:s0+$0x96C0] =	vst v0  }
0x30: {  	[tilespmem:s0+$0x96D0] =	vst v0  }
0x31: {  	[tilespmem:s0+$0x96E0] =	vst v0  }
0x32: {  	[spmem:s8] =	stream.linear.scatter [tilespmem:s23], [sflag:$0x3], $0x2000, $0x38;
	[tilespmem:$0x1F280] =	vst v63  }
0x33: {  	_ =	swait.ge [sflag:s20], $0x2000  }
0x34: {  	[sflag:s20] =	ssyncset.done $0x0  }
0x35: {  	s11 =	rddreg [dreg:$0x6];
	[sflag:s20] =	ssyncadd.s32 $0xFFFFE000  }
0x36: {  	[spmem:s11] =	stream.linear.scatter [tilespmem:s23], [sflag:$0x3], $0x2000, $0x38;
	[tilespmem:$0x1F280] =	vst v63  }
0x37: {  	_ =	swait.ge [sflag:s20], $0x2000  }
0x38: {  	[sflag:s20] =	ssyncset.done $0x0  }
0x39: {  	s12 =	rddreg [dreg:$0x7];
	[sflag:s20] =	ssyncadd.s32 $0xFFFFE000  }
0x3a: {  	[spmem:s12] =	stream.linear.scatter [tilespmem:s23], [sflag:$0x3], $0x2000, $0x38;
	[tilespmem:$0x1F280] =	vst v63  }
0x3b: {  	_ =	swait.ge [sflag:s20], $0x2000  }
0x3c: {  	[sflag:s20] =	ssyncset.done $0x0  }
0x3d: {  	s13 =	rddreg [dreg:$0x8];
	[sflag:s20] =	ssyncadd.s32 $0xFFFFE000  }
0x3e: {  	[spmem:s13] =	stream.linear.scatter [tilespmem:s23], [sflag:$0x3], $0x2000, $0x38;
	[tilespmem:$0x1F280] =	vst v63  }
0x3f: {  	_ =	swait.ge [sflag:s20], $0x2000  }
0x40: {  	[sflag:s20] =	ssyncset.done $0x0  }
0x41: {  	s14 =	rddreg [dreg:$0x9];
	[sflag:s20] =	ssyncadd.s32 $0xFFFFE000  }
0x42: {  	[spmem:s14] =	stream.linear.scatter [tilespmem:s23], [sflag:$0x3], $0x2000, $0x38;
	[tilespmem:$0x1F280] =	vst v63  }
0x43: {  	_ =	swait.ge [sflag:s20], $0x2000  }
0x44: {  	[sflag:s20] =	ssyncset.done $0x0  }
0x45: {  	s21 =	rddreg [dreg:$0xa];
	[sflag:s20] =	ssyncadd.s32 $0xFFFFE000  }
0x46: {  	[spmem:s21] =	stream.linear.scatter [tilespmem:s23], [sflag:$0x3], $0x2000, $0x38;
	[tilespmem:$0x1F280] =	vst v63  }
0x47: {  	_ =	swait.ge [sflag:s20], $0x2000  }
0x48: {  	[sflag:s20] =	ssyncset.done $0x0  }
0x49: {  	s22 =	rddreg [dreg:$0xb];
	[sflag:s20] =	ssyncadd.s32 $0xFFFFE000  }
0x4a: {  	[spmem:s22] =	stream.linear.scatter [tilespmem:s23], [sflag:$0x3], $0x2000, $0x38;
	[tilespmem:$0x1F280] =	vst v63  }
0x4b: {  	_ =	swait.ge [sflag:s20], $0x2000  }
0x4c: {  	[sflag:s20] =	ssyncset.done $0x0  }
0x4d: {  	[sflag:s20] =	ssyncadd.s32 $0xFFFFE000  }
0x4e: {  	[spmem:s15] =	stream.linear.scatter [tilespmem:s23], [sflag:$0x3], $0x2000, $0x38;
	[tilespmem:$0x1F280] =	vst v63  }
0x4f: {  	_ =	swait.ge [sflag:s20], $0x2000  }
0x50: {  	[sflag:s20] =	ssyncset.done $0x0  }
0x51: {  	[sflag:s20] =	ssyncadd.s32 $0xFFFFE000  }
0x52: {  	[spmem:s16] =	stream.linear.scatter [tilespmem:s23], [sflag:$0x3], $0x2000, $0x38;
	[tilespmem:$0x1F280] =	vst v63  }
0x53: {  	_ =	swait.ge [sflag:s20], $0x2000  }
0x54: {  	[sflag:s20] =	ssyncset.done $0x0  }
0x55: {  	[sflag:s20] =	ssyncadd.s32 $0xFFFFE000  }
0x56: {  	[spmem:s17] =	stream.linear.scatter [tilespmem:s23], [sflag:$0x3], $0x1C00, $0x38;
	[tilespmem:$0x1F280] =	vst v63  }
0x57: {  	_ =	swait.ge [sflag:s20], $0x1C00  }
0x58: {  	[sflag:s20] =	ssyncset.done $0x0  }
0x59: {  	[sflag:s20] =	ssyncadd.s32 $0xFFFFE400  }
0x5a: {  	s25 =	simm.s32 $0x7680;
	[bflag:$0x0] =	sbarrier.arrive $0xFFFF  }
0x5b: {  	[tilespmem:s25], [sflag:$0x1] =	stream.indirect.gather [hbm4b:s2+s24], $0x40, s31, s24, $0xb8;
	[tilespmem:$0x1F280] =	vst v63  }
0x5c: {  	s26 =	simm.s32 $0x8680;
	s0 =	simm.s32 $0x0  }
0x5d: {  	[tilespmem:s26], [sflag:$0x2] =	stream.indirect.gather [hbm4b:s2+s24], $0x40, s24, s24, $0xb8;
	[tilespmem:$0x1F280] =	vst v63  }
.LBB2_4:
0x5e: {  	s22 =	sshll.u32 s0, $0x9  }
0x5f: {  	s25 =	sshrl.u32 s22, $0x2  }
0x60: {  	s1 =	sadd.s32 $0x4F00, s25  }
0x61: {  	v1 =	vmov s1;
	_ =	sdelay $0x1  }
0x62: {  	_ =	swait.ge [sflag:s28], $0x1000  }
0x63: {  	s11 =	simm.s32 $0x0;
	[sflag:s28] =	ssyncset.done $0x0  }
0x64: {  	s6 =	sand.u32 $0x30, s11;
	[sflag:s28] =	ssyncadd.s32 $0xFFFFF000  }
0x65: {  	s9 =	simm.s32 $0x7780;
	v7 =	vld.idx.msk [tilespmem:v1+s6+$0x0 ss:$0x1], $0xffff  }
0x66: {  	s12 =	sand.u32 $0xFFFFFFF0, s31;
	v3 =	vld [tilespmem:s9+$0xC0]  }
0x67: {  	s7 =	ssub.s32 $0xFFFFFFF8, s12  }
0x68: {  	s10 =	sadd.s32 $0xF, s7  }
0x69: {  	v2 =	vmov s10  }
0x6a: {  	v2 =	vperm.xlane v7, v2  }
0x6b: {  	v4 =	vshll.u32 v3, $0x10  }
0x6c: {  	v3 =	vand.u32 $0xFFFF0000, v3;
	v4 =	vmul.f32 v4, v2  }
0x6d: {  	s21 =	simm.s32 $0x9880;
	v3 =	vmul.f32 v3, v2  }
0x6e: {  	v5 =	vld [tilespmem:s9+$0xFFFFFF00];
	[tilespmem:s21+$0x180] =	vst v4  }
0x6f: {  	v9 =	vld [tilespmem:s9+$0xFFFFFF40];
	[tilespmem:s21+$0x190] =	vst v3  }
0x70: {  	s1 =	sand.u32 $0x8, s11;
	v3 =	vld [tilespmem:s9+$0xD0]  }
0x71: {  	v4 =	vmov s1  }
0x72: {  	v4 =	vperm.xlane v7, v4  }
0x73: {  	s13 =	ssub.s32 $0x0, s12;
	v10 =	vld [tilespmem:s9+$0xFFFFFF80];
	v6 =	vshll.u32 v5, $0x10  }
0x74: {  	s6 =	sadd.s32 $0x1, s13;
	v5 =	vand.u32 $0xFFFF0000, v5;
	v13 =	vshll.u32 v9, $0x10;
	v8 =	vmul.f32 v6, v4  }
0x75: {  	v6 =	vmov s6;
	v5 =	vmul.f32 v5, v4;
	v11 =	vshll.u32 v3, $0x10  }
0x76: {  	s14 =	sadd.s32 $0x2, s13;
	v12 =	vld [tilespmem:s9+$0xFFFFFFC0];
	v6 =	vperm.xlane v7, v6;
	[tilespmem:s21+$0xFFFFFE00] =	vst v8;
	v3 =	vand.u32 $0xFFFF0000, v3;
	v11 =	vmul.f32 v11, v2  }
0x77: {  	v8 =	vmov s14;
	[tilespmem:s21+$0xFFFFFE10] =	vst v5;
	v5 =	vand.u32 $0xFFFF0000, v9;
	v3 =	vmul.f32 v3, v2  }
0x78: {  	s26 =	sadd.s32 $0xB, s7;
	v14 =	vld [tilespmem:s9+$0x0];
	v8 =	vperm.xlane v7, v8;
	v9 =	vmul.f32 v13, v6;
	v13 =	vshll.u32 v10, $0x10;
	[tilespmem:s21+$0x1A0] =	vst v11  }
0x79: {  	v5 =	vmul.f32 v5, v6;
	v10 =	vand.u32 $0xFFFF0000, v10;
	v11 =	vmov s26;
	[tilespmem:s21+$0x1B0] =	vst v3  }
0x7a: {  	s10 =	sadd.s32 $0xC, s7;
	[tilespmem:s21+$0xFFFFFE80] =	vst v9;
	v10 =	vmul.f32 v10, v8;
	v3 =	vperm.xlane v7, v11;
	v9 =	vld [tilespmem:s9+$0xE0]  }
0x7b: {  	v15 =	vshll.u32 v12, $0x10;
	[tilespmem:s21+$0xFFFFFE90] =	vst v5;
	v11 =	vmul.f32 v13, v8;
	v13 =	vmov s10  }
0x7c: {  	v16 =	vld [tilespmem:s9+$0x40];
	v12 =	vand.u32 $0xFFFF0000, v12;
	[tilespmem:s21+$0xFFFFFF10] =	vst v10;
	v5 =	vperm.xlane v7, v13;
	v13 =	vmul.f32 v15, v3  }
0x7d: {  	[tilespmem:s21+$0xFFFFFF00] =	vst v11;
	v11 =	vshll.u32 v14, $0x10;
	v12 =	vmul.f32 v12, v3  }
0x7e: {  	s11 =	sadd.s32 $0x5, s13;
	v10 =	vand.u32 $0xFFFF0000, v14;
	v15 =	vld [tilespmem:s9+$0x80];
	v11 =	vmul.f32 v11, v5;
	[tilespmem:s21+$0xFFFFFF80] =	vst v13  }
0x7f: {  	v14 =	vmul.f32 v10, v5;
	v13 =	vmov s11;
	[tilespmem:s21+$0xFFFFFF90] =	vst v12;
	v12 =	vshll.u32 v9, $0x10  }
0x80: {  	s1 =	sadd.s32 $0x6, s13;
	v10 =	vperm.xlane v7, v13;
	v13 =	vld [tilespmem:s9+$0xFFFFFF10];
	[tilespmem:s21+$0x0] =	vst v11;
	v9 =	vand.u32 $0xFFFF0000, v9;
	v11 =	vmul.f32 v12, v2  }
0x81: {  	v17 =	vshll.u32 v16, $0x10;
	[tilespmem:s21+$0x10] =	vst v14;
	v12 =	vmov s1;
	v9 =	vmul.f32 v9, v2  }
0x82: {  	v7 =	vperm.xlane v7, v12;
	v12 =	vand.u32 $0xFFFF0000, v16;
	v14 =	vmul.f32 v17, v10;
	v16 =	vld [tilespmem:s9+$0xFFFFFF50];
	[tilespmem:s21+$0x1C0] =	vst v11  }
0x83: {  	v11 =	vshll.u32 v15, $0x10;
	v12 =	vmul.f32 v12, v10;
	[tilespmem:s21+$0x1D0] =	vst v9  }
0x84: {  	v17 =	vld [tilespmem:s9+$0xFFFFFF90];
	v9 =	vand.u32 $0xFFFF0000, v15;
	v15 =	vmul.f32 v11, v7;
	[tilespmem:s21+$0x80] =	vst v14  }
0x85: {  	v11 =	vld [tilespmem:s9+$0xF0];
	v9 =	vmul.f32 v9, v7;
	v14 =	vshll.u32 v13, $0x10;
	[tilespmem:s21+$0x90] =	vst v12  }
0x86: {  	v12 =	vand.u32 $0xFFFF0000, v13;
	v13 =	vmul.f32 v14, v4;
	[tilespmem:s21+$0x100] =	vst v15  }
0x87: {  	v12 =	vmul.f32 v12, v4;
	v14 =	vld [tilespmem:s9+$0xFFFFFFD0];
	[tilespmem:s21+$0x110] =	vst v9;
	v15 =	vshll.u32 v16, $0x10  }
0x88: {  	v9 =	vand.u32 $0xFFFF0000, v16;
	v15 =	vmul.f32 v15, v6;
	[tilespmem:s21+$0xFFFFFE20] =	vst v13  }
0x89: {  	v16 =	vshll.u32 v17, $0x10;
	v9 =	vmul.f32 v9, v6;
	v13 =	vld [tilespmem:s9+$0x10];
	[tilespmem:s21+$0xFFFFFE30] =	vst v12  }
0x8a: {  	v16 =	vmul.f32 v16, v8;
	v12 =	vand.u32 $0xFFFF0000, v11;
	[tilespmem:s21+$0xFFFFFEA0] =	vst v15  }
0x8b: {  	v12 =	vmul.f32 v12, v2;
	v15 =	vand.u32 $0xFFFF0000, v17;
	v17 =	vld [tilespmem:s9+$0x50];
	[tilespmem:s21+$0xFFFFFEB0] =	vst v9  }
0x8c: {  	[tilespmem:s21+$0xFFFFFF20] =	vst v16;
	v9 =	vmul.f32 v15, v8;
	v15 =	vshll.u32 v14, $0x10  }
0x8d: {  	[tilespmem:s21+$0x1F0] =	vst v12;
	v12 =	vand.u32 $0xFFFF0000, v14;
	v14 =	vmul.f32 v15, v3;
	v15 =	vld [tilespmem:s9+$0x90]  }
0x8e: {  	v12 =	vmul.f32 v12, v3;
	v16 =	vshll.u32 v13, $0x10;
	[tilespmem:s21+$0xFFFFFF30] =	vst v9  }
0x8f: {  	v9 =	vand.u32 $0xFFFF0000, v13;
	v13 =	vmul.f32 v16, v5;
	v16 =	vld [tilespmem:s9+$0xFFFFFF20];
	[tilespmem:s21+$0xFFFFFFA0] =	vst v14  }
0x90: {  	v9 =	vmul.f32 v9, v5;
	v14 =	vshll.u32 v17, $0x10;
	[tilespmem:s21+$0xFFFFFFB0] =	vst v12  }
0x91: {  	v12 =	vand.u32 $0xFFFF0000, v17;
	v17 =	vld [tilespmem:s9+$0xFFFFFF60];
	v14 =	vmul.f32 v14, v10;
	[tilespmem:s21+$0x20] =	vst v13  }
0x92: {  	v12 =	vmul.f32 v12, v10;
	[tilespmem:s21+$0x30] =	vst v9;
	v13 =	vshll.u32 v15, $0x10  }
0x93: {  	v9 =	vand.u32 $0xFFFF0000, v15;
	v15 =	vld [tilespmem:s9+$0xFFFFFFA0];
	v13 =	vmul.f32 v13, v7;
	[tilespmem:s21+$0xA0] =	vst v14  }
0x94: {  	v9 =	vmul.f32 v9, v7;
	[tilespmem:s21+$0xB0] =	vst v12;
	v14 =	vshll.u32 v16, $0x10  }
0x95: {  	v12 =	vand.u32 $0xFFFF0000, v16;
	v16 =	vld [tilespmem:s9+$0xFFFFFFE0];
	v14 =	vmul.f32 v14, v4;
	[tilespmem:s21+$0x120] =	vst v13  }
0x96: {  	v12 =	vmul.f32 v12, v4;
	v13 =	vshll.u32 v17, $0x10;
	[tilespmem:s21+$0x130] =	vst v9  }
0x97: {  	v9 =	vand.u32 $0xFFFF0000, v17;
	v17 =	vld [tilespmem:s9+$0x20];
	v13 =	vmul.f32 v13, v6;
	[tilespmem:s21+$0xFFFFFE40] =	vst v14  }
0x98: {  	v9 =	vmul.f32 v9, v6;
	v14 =	vshll.u32 v15, $0x10;
	[tilespmem:s21+$0xFFFFFE50] =	vst v12  }
0x99: {  	v12 =	vand.u32 $0xFFFF0000, v15;
	v15 =	vld [tilespmem:s9+$0x60];
	v14 =	vmul.f32 v14, v8;
	[tilespmem:s21+$0xFFFFFEC0] =	vst v13  }
0x9a: {  	v12 =	vmul.f32 v12, v8;
	[tilespmem:s21+$0xFFFFFED0] =	vst v9;
	v13 =	vshll.u32 v16, $0x10  }
0x9b: {  	v9 =	vand.u32 $0xFFFF0000, v16;
	v16 =	vld [tilespmem:s9+$0xA0];
	v13 =	vmul.f32 v13, v3;
	[tilespmem:s21+$0xFFFFFF40] =	vst v14  }
0x9c: {  	v9 =	vmul.f32 v9, v3;
	v14 =	vshll.u32 v17, $0x10;
	[tilespmem:s21+$0xFFFFFF50] =	vst v12  }
0x9d: {  	v12 =	vand.u32 $0xFFFF0000, v17;
	v17 =	vld [tilespmem:s9+$0xFFFFFF30];
	v14 =	vmul.f32 v14, v5;
	[tilespmem:s21+$0xFFFFFFC0] =	vst v13  }
0x9e: {  	v12 =	vmul.f32 v12, v5;
	v13 =	vshll.u32 v15, $0x10;
	[tilespmem:s21+$0xFFFFFFD0] =	vst v9  }
0x9f: {  	v9 =	vand.u32 $0xFFFF0000, v15;
	v15 =	vld [tilespmem:s9+$0xFFFFFF70];
	v13 =	vmul.f32 v13, v10;
	[tilespmem:s21+$0x40] =	vst v14  }
0xa0: {  	v9 =	vmul.f32 v9, v10;
	[tilespmem:s21+$0x50] =	vst v12;
	v14 =	vshll.u32 v16, $0x10  }
0xa1: {  	s1 =	simm.s32 $0x8;
	v12 =	vand.u32 $0xFFFF0000, v16;
	v16 =	vld [tilespmem:s9+$0xFFFFFFB0];
	v14 =	vmul.f32 v14, v7;
	[tilespmem:s21+$0xC0] =	vst v13  }
0xa2: {  	s12 =	sand.u32 $0x30, s1;
	v18 =	vld [tilespmem:s9+$0xFFFFFFF0];
	v12 =	vmul.f32 v12, v7;
	v13 =	vshll.u32 v17, $0x10;
	[tilespmem:s21+$0xD0] =	vst v9  }
0xa3: {  	s6 =	simm.s32 $0x8;
	s26 =	simm.s32 $0x7980;
	v9 =	vand.u32 $0xFFFF0000, v17;
	v13 =	vmul.f32 v13, v4;
	[tilespmem:s21+$0x140] =	vst v14;
	v14 =	vld.idx.msk [tilespmem:v1+s12+$0x0 ss:$0x1], $0xffff  }
0xa4: {  	s11 =	sand.u32 $0xFFFFFFF0, s6;
	v4 =	vmul.f32 v9, v4;
	v9 =	vshll.u32 v15, $0x10;
	[tilespmem:s21+$0x150] =	vst v12;
	v12 =	vld [tilespmem:s26+$0xC0]  }
0xa5: {  	s10 =	ssub.s32 $0x0, s11;
	v15 =	vand.u32 $0xFFFF0000, v15;
	v9 =	vmul.f32 v9, v6;
	[tilespmem:s21+$0xFFFFFE60] =	vst v13  }
0xa6: {  	s13 =	sadd.s32 $0xF, s10;
	v6 =	vmul.f32 v15, v6;
	[tilespmem:s21+$0xFFFFFE70] =	vst v4;
	v13 =	vshll.u32 v16, $0x10  }
0xa7: {  	v15 =	vand.u32 $0xFFFF0000, v16;
	v13 =	vmul.f32 v13, v8;
	[tilespmem:s21+$0xFFFFFEE0] =	vst v9;
	v9 =	vmov s13  }
0xa8: {  	v4 =	vld [tilespmem:s9+$0x30];
	v8 =	vmul.f32 v15, v8;
	v15 =	vshll.u32 v18, $0x10;
	[tilespmem:s21+$0xFFFFFEF0] =	vst v6;
	v9 =	vperm.xlane v14, v9  }
0xa9: {  	v6 =	vld [tilespmem:s9+$0x70];
	v15 =	vmul.f32 v15, v3;
	[tilespmem:s21+$0xFFFFFF60] =	vst v13;
	v13 =	vshll.u32 v12, $0x10  }
0xaa: {  	[tilespmem:s21+$0xFFFFFF70] =	vst v8;
	v8 =	vand.u32 $0xFFFF0000, v12;
	v12 =	vmul.f32 v13, v9  }
0xab: {  	s7 =	simm.s32 $0x9C80;
	[tilespmem:s21+$0xFFFFFFE0] =	vst v15;
	v13 =	vand.u32 $0xFFFF0000, v18;
	v8 =	vmul.f32 v8, v9  }
0xac: {  	v11 =	vshll.u32 v11, $0x10;
	v15 =	vld [tilespmem:s26+$0xFFFFFF00];
	v3 =	vmul.f32 v13, v3;
	[tilespmem:s7+$0x180] =	vst v12  }
0xad: {  	v2 =	vmul.f32 v11, v2;
	v13 =	vshll.u32 v4, $0x10;
	v4 =	vand.u32 $0xFFFF0000, v4;
	[tilespmem:s7+$0x190] =	vst v8  }
0xae: {  	s12 =	sand.u32 $0x8, s1;
	v12 =	vmul.f32 v13, v5;
	v4 =	vmul.f32 v4, v5;
	v5 =	vshll.u32 v6, $0x10;
	[tilespmem:s21+$0xFFFFFFF0] =	vst v3;
	v3 =	vld [tilespmem:s26+$0xD0]  }
0xaf: {  	[tilespmem:s21+$0x1E0] =	vst v2;
	v8 =	vmov s12;
	v6 =	vand.u32 $0xFFFF0000, v6;
	v5 =	vmul.f32 v5, v10  }
0xb0: {  	v6 =	vmul.f32 v6, v10;
	v10 =	vperm.xlane v14, v8;
	[tilespmem:s21+$0x60] =	vst v12;
	v12 =	vld [tilespmem:s26+$0xFFFFFF40]  }
0xb1: {  	s11 =	ssub.s32 $0x8, s11;
	[tilespmem:s21+$0x70] =	vst v4;
	v4 =	vshll.u32 v15, $0x10  }
0xb2: {  	s14 =	sadd.s32 $0x1, s11;
	v8 =	vld [tilespmem:s26+$0xFFFFFF80];
	[tilespmem:s21+$0xE0] =	vst v5;
	v5 =	vand.u32 $0xFFFF0000, v15;
	v4 =	vmul.f32 v4, v10  }
0xb3: {  	[tilespmem:s21+$0xF0] =	vst v6;
	v6 =	vmov s14;
	v5 =	vmul.f32 v5, v10;
	v13 =	vshll.u32 v3, $0x10  }
0xb4: {  	v2 =	vld [tilespmem:s26+$0xFFFFFFC0];
	s13 =	sadd.s32 $0x2, s11;
	v11 =	vperm.xlane v14, v6;
	[tilespmem:s7+$0xFFFFFE00] =	vst v4;
	v3 =	vand.u32 $0xFFFF0000, v3;
	v4 =	vmul.f32 v13, v9  }
0xb5: {  	v6 =	vmov s13;
	[tilespmem:s7+$0xFFFFFE10] =	vst v5;
	v13 =	vshll.u32 v12, $0x10;
	v3 =	vmul.f32 v3, v9  }
0xb6: {  	s14 =	sadd.s32 $0xB, s10;
	v15 =	vld [tilespmem:s26+$0x0];
	v6 =	vperm.xlane v14, v6;
	v5 =	vand.u32 $0xFFFF0000, v12;
	v12 =	vmul.f32 v13, v11;
	[tilespmem:s7+$0x1A0] =	vst v4  }
0xb7: {  	v13 =	vshll.u32 v8, $0x10;
	v16 =	vmul.f32 v5, v11;
	v4 =	vmov s14;
	[tilespmem:s7+$0x1B0] =	vst v3  }
0xb8: {  	s10 =	sadd.s32 $0xC, s10;
	v3 =	vand.u32 $0xFFFF0000, v8;
	v8 =	vmul.f32 v13, v6;
	v5 =	vperm.xlane v14, v4;
	[tilespmem:s7+$0xFFFFFE80] =	vst v12;
	v12 =	vld [tilespmem:s26+$0xE0]  }
0xb9: {  	v13 =	vshll.u32 v2, $0x10;
	v4 =	vmov s10;
	v3 =	vmul.f32 v3, v6;
	[tilespmem:s7+$0xFFFFFE90] =	vst v16  }
0xba: {  	v2 =	vand.u32 $0xFFFF0000, v2;
	v16 =	vld [tilespmem:s26+$0x40];
	v4 =	vperm.xlane v14, v4;
	[tilespmem:s7+$0xFFFFFF00] =	vst v8;
	v13 =	vmul.f32 v13, v5  }
0xbb: {  	v8 =	vshll.u32 v15, $0x10;
	v2 =	vmul.f32 v2, v5;
	[tilespmem:s7+$0xFFFFFF10] =	vst v3  }
0xbc: {  	v17 =	vld [tilespmem:s26+$0x80];
	s13 =	sadd.s32 $0x5, s11;
	v3 =	vand.u32 $0xFFFF0000, v15;
	v8 =	vmul.f32 v8, v4;
	[tilespmem:s7+$0xFFFFFF80] =	vst v13  }
0xbd: {  	v15 =	vmul.f32 v3, v4;
	v13 =	vmov s13;
	[tilespmem:s7+$0xFFFFFF90] =	vst v2;
	v2 =	vshll.u32 v12, $0x10  }
0xbe: {  	s14 =	sadd.s32 $0x6, s11;
	v3 =	vperm.xlane v14, v13;
	v13 =	vld [tilespmem:s26+$0xFFFFFF10];
	[tilespmem:s7+$0x0] =	vst v8;
	v8 =	vand.u32 $0xFFFF0000, v12;
	v12 =	vmul.f32 v2, v9  }
0xbf: {  	v18 =	vshll.u32 v16, $0x10;
	[tilespmem:s7+$0x10] =	vst v15;
	v2 =	vmov s14;
	v8 =	vmul.f32 v8, v9  }
0xc0: {  	v2 =	vperm.xlane v14, v2;
	v14 =	vand.u32 $0xFFFF0000, v16;
	v15 =	vmul.f32 v18, v3;
	v16 =	vld [tilespmem:s26+$0xFFFFFF50];
	[tilespmem:s7+$0x1C0] =	vst v12  }
0xc1: {  	v12 =	vshll.u32 v17, $0x10;
	v14 =	vmul.f32 v14, v3;
	[tilespmem:s7+$0x1D0] =	vst v8  }
0xc2: {  	v18 =	vld [tilespmem:s26+$0xFFFFFF90];
	v8 =	vand.u32 $0xFFFF0000, v17;
	v12 =	vmul.f32 v12, v2;
	[tilespmem:s7+$0x80] =	vst v15  }
0xc3: {  	v15 =	vld [tilespmem:s26+$0xF0];
	v8 =	vmul.f32 v8, v2;
	v17 =	vshll.u32 v13, $0x10;
	[tilespmem:s7+$0x90] =	vst v14  }
0xc4: {  	v13 =	vand.u32 $0xFFFF0000, v13;
	v14 =	vmul.f32 v17, v10;
	[tilespmem:s7+$0x100] =	vst v12  }
0xc5: {  	v12 =	vmul.f32 v13, v10;
	v13 =	vld [tilespmem:s26+$0xFFFFFFD0];
	[tilespmem:s7+$0x110] =	vst v8;
	v17 =	vshll.u32 v16, $0x10  }
0xc6: {  	v8 =	vand.u32 $0xFFFF0000, v16;
	v16 =	vmul.f32 v17, v11;
	[tilespmem:s7+$0xFFFFFE20] =	vst v14  }
0xc7: {  	v8 =	vmul.f32 v8, v11;
	v14 =	vld [tilespmem:s26+$0x10];
	[tilespmem:s7+$0xFFFFFE30] =	vst v12;
	v17 =	vshll.u32 v18, $0x10  }
0xc8: {  	v12 =	vand.u32 $0xFFFF0000, v15;
	v17 =	vmul.f32 v17, v6;
	[tilespmem:s7+$0xFFFFFEA0] =	vst v16  }
0xc9: {  	v12 =	vmul.f32 v12, v9;
	v16 =	vand.u32 $0xFFFF0000, v18;
	v18 =	vld [tilespmem:s26+$0x50];
	[tilespmem:s7+$0xFFFFFEB0] =	vst v8  }
0xca: {  	v8 =	vmul.f32 v16, v6;
	v16 =	vshll.u32 v13, $0x10;
	[tilespmem:s7+$0xFFFFFF20] =	vst v17  }
0xcb: {  	[tilespmem:s7+$0x1F0] =	vst v12;
	v12 =	vand.u32 $0xFFFF0000, v13;
	v13 =	vmul.f32 v16, v5;
	v16 =	vld [tilespmem:s26+$0x90]  }
0xcc: {  	v17 =	vld [tilespmem:s9+$0xB0];
	v12 =	vmul.f32 v12, v5;
	v19 =	vshll.u32 v14, $0x10;
	[tilespmem:s7+$0xFFFFFF30] =	vst v8  }
0xcd: {  	v8 =	vand.u32 $0xFFFF0000, v14;
	v14 =	vmul.f32 v19, v4;
	v19 =	vld [tilespmem:s26+$0xFFFFFF20];
	[tilespmem:s7+$0xFFFFFFA0] =	vst v13  }
0xce: {  	v8 =	vmul.f32 v8, v4;
	v13 =	vshll.u32 v18, $0x10;
	[tilespmem:s7+$0xFFFFFFB0] =	vst v12  }
0xcf: {  	v12 =	vand.u32 $0xFFFF0000, v18;
	v18 =	vld [tilespmem:s26+$0xFFFFFF60];
	v13 =	vmul.f32 v13, v3;
	[tilespmem:s7+$0x20] =	vst v14  }
0xd0: {  	v12 =	vmul.f32 v12, v3;
	[tilespmem:s7+$0x30] =	vst v8;
	v14 =	vshll.u32 v16, $0x10  }
0xd1: {  	v15 =	vshll.u32 v15, $0x10;
	v8 =	vand.u32 $0xFFFF0000, v16;
	v16 =	vld [tilespmem:s26+$0xFFFFFFA0];
	v14 =	vmul.f32 v14, v2;
	[tilespmem:s7+$0xA0] =	vst v13  }
0xd2: {  	v21 =	vld [tilespmem:s26+$0xFFFFFFE0];
	v13 =	vshll.u32 v17, $0x10;
	v20 =	vmul.f32 v8, v2;
	[tilespmem:s7+$0xB0] =	vst v12;
	v8 =	vshll.u32 v19, $0x10  }
0xd3: {  	v12 =	vand.u32 $0xFFFF0000, v17;
	v17 =	vand.u32 $0xFFFF0000, v19;
	v19 =	vmul.f32 v8, v10;
	[tilespmem:s7+$0x120] =	vst v14  }
0xd4: {  	v8 =	vmul.f32 v13, v7;
	v13 =	vmul.f32 v17, v10;
	v14 =	vshll.u32 v18, $0x10;
	v17 =	vld [tilespmem:s26+$0x20];
	[tilespmem:s7+$0x130] =	vst v20  }
0xd5: {  	v7 =	vmul.f32 v12, v7;
	v12 =	vand.u32 $0xFFFF0000, v18;
	v18 =	vld [tilespmem:s26+$0x60];
	v14 =	vmul.f32 v14, v11;
	[tilespmem:s7+$0xFFFFFE40] =	vst v19  }
0xd6: {  	v12 =	vmul.f32 v12, v11;
	v19 =	vshll.u32 v16, $0x10;
	[tilespmem:s7+$0xFFFFFE50] =	vst v13;
	v13 =	vand.u32 $0xFFFF0000, v16;
	v16 =	vld [tilespmem:s26+$0xA0]  }
0xd7: {  	v9 =	vmul.f32 v15, v9;
	v15 =	vmul.f32 v19, v6;
	[tilespmem:s7+$0xFFFFFEC0] =	vst v14;
	v14 =	vshll.u32 v21, $0x10  }
0xd8: {  	v13 =	vmul.f32 v13, v6;
	v19 =	vand.u32 $0xFFFF0000, v21;
	v20 =	vld [tilespmem:s26+$0xFFFFFF30];
	[tilespmem:s7+$0xFFFFFED0] =	vst v12;
	v12 =	vmul.f32 v14, v5  }
0xd9: {  	v14 =	vmul.f32 v19, v5;
	v19 =	vshll.u32 v17, $0x10;
	[tilespmem:s7+$0xFFFFFF40] =	vst v15;
	v15 =	vand.u32 $0xFFFF0000, v17  }
0xda: {  	v63 =	vld [tilespmem:s26+$0xFFFFFF70];
	[tilespmem:s7+$0xFFFFFF50] =	vst v13;
	v17 =	vmul.f32 v19, v4;
	v19 =	vshll.u32 v18, $0x10;
	v13 =	vmul.f32 v15, v4  }
0xdb: {  	v15 =	vand.u32 $0xFFFF0000, v18;
	[tilespmem:s7+$0xFFFFFFC0] =	vst v12;
	v18 =	vmul.f32 v19, v3;
	v12 =	vshll.u32 v16, $0x10  }
0xdc: {  	v22 =	vld [tilespmem:s26+$0xFFFFFFB0];
	[tilespmem:s7+$0xFFFFFFD0] =	vst v14;
	v23 =	vmul.f32 v15, v3;
	v15 =	vand.u32 $0xFFFF0000, v16;
	v16 =	vmul.f32 v12, v2  }
0xdd: {  	v12 =	vmul.f32 v15, v2;
	v14 =	vshll.u32 v20, $0x10;
	[tilespmem:s7+$0x40] =	vst v17;
	v17 =	vand.u32 $0xFFFF0000, v20  }
0xde: {  	v15 =	vmul.f32 v14, v10;
	v14 =	vmul.f32 v17, v10;
	v17 =	vld [tilespmem:s26+$0xFFFFFFF0]  }
0xdf: {  	[tilespmem:s7+$0x50] =	vst v13;
	v19 =	vshll.u32 v63, $0x10;
	v10 =	vand.u32 $0xFFFF0000, v63  }
0xe0: {  	[tilespmem:s7+$0xC0] =	vst v18;
	v13 =	vmul.f32 v19, v11;
	v10 =	vmul.f32 v10, v11;
	v11 =	vld [tilespmem:s26+$0x30]  }
0xe1: {  	s9 =	simm.s32 $0x9C80;
	[tilespmem:s7+$0xD0] =	vst v23;
	v19 =	vshll.u32 v22, $0x10;
	v18 =	vand.u32 $0xFFFF0000, v22  }
.LBB2_5:
0xe2: {  	v19 =	vmul.f32 v19, v6;
	v6 =	vmul.f32 v18, v6;
	v18 =	vld [tilespmem:s26+$0x70];
	[tilespmem:s7+$0x140] =	vst v16;
	s10 =	smov.u32 s1;
	s1 =	sadd.s32 $0x8, s1  }
0xe3: {  	s11 =	sand.u32 $0x30, s1;
	s12 =	sand.u32 $0x8, s1;
	v16 =	vshll.u32 v17, $0x10;
	v17 =	vand.u32 $0xFFFF0000, v17;
	[tilespmem:s7+$0x150] =	vst v12  }
0xe4: {  	v20 =	vld.idx.msk [tilespmem:v1+s11+$0x0 ss:$0x1], $0xffff;
	v21 =	vmov s12;
	[tilespmem:s7+$0xFFFFFE60] =	vst v15;
	v15 =	vmul.f32 v16, v5;
	v5 =	vmul.f32 v17, v5  }
0xe5: {  	s6 =	sadd.s32 $0x8, s6;
	p0 =	slt.u32 s1, $0x38;
	[tilespmem:s7+$0xFFFFFE70] =	vst v14;
	v12 =	vshll.u32 v11, $0x10;
	v11 =	vand.u32 $0xFFFF0000, v11;
	v14 =	vld [tilespmem:s26+$0xB0];
	s26 =	sadd.s32 $0x200, s26  }
0xe6: {  	s11 =	sand.u32 $0xFFFFFFF0, s6;
	v16 =	vld [tilespmem:s26+$0xC0];
	[tilespmem:s7+$0xFFFFFEE0] =	vst v13;
	v13 =	vmul.f32 v12, v4;
	v17 =	vmul.f32 v11, v4  }
0xe7: {  	s12 =	ssub.s32 s1, s11;
	s10 =	ssub.s32 s10, s11;
	v4 =	vld [tilespmem:s26+$0xFFFFFF00];
	[tilespmem:s7+$0xFFFFFEF0] =	vst v10;
	v10 =	vshll.u32 v18, $0x10;
	v11 =	vand.u32 $0xFFFF0000, v18  }
0xe8: {  	s11 =	sadd.s32 $0x1, s12;
	s13 =	sadd.s32 $0x2, s12;
	s14 =	sadd.s32 $0xF, s10;
	v18 =	vld [tilespmem:s26+$0xFFFFFF40];
	[tilespmem:s7+$0xFFFFFF60] =	vst v19;
	v19 =	vmul.f32 v10, v3;
	v22 =	vmul.f32 v11, v3  }
0xe9: {  	v23 =	vmov s13;
	s13 =	sadd.s32 $0x5, s12;
	v3 =	vmov s11;
	s11 =	sadd.s32 $0xB, s10;
	s10 =	sadd.s32 $0xC, s10;
	v10 =	vmov s14;
	v24 =	vld [tilespmem:s26+$0xFFFFFF80]  }
0xea: {  	v25 =	vmov s11;
	v27 =	vmov s10;
	s10 =	sadd.s32 $0x6, s12;
	v12 =	vperm.xlane v20, v10;
	v26 =	vld [tilespmem:s26+$0xFFFFFFC0];
	[tilespmem:s7+$0xFFFFFF70] =	vst v6  }
0xeb: {  	v29 =	vmov s13;
	v30 =	vmov s10;
	v28 =	vld [tilespmem:s26+$0x0];
	v6 =	vshll.u32 v16, $0x10;
	[tilespmem:s7+$0xFFFFFFE0] =	vst v15  }
0xec: {  	v11 =	vperm.xlane v20, v21;
	v16 =	vand.u32 $0xFFFF0000, v16;
	v15 =	vld [tilespmem:s26+$0x40];
	v21 =	vmul.f32 v6, v12;
	[tilespmem:s7+$0xFFFFFFF0] =	vst v5  }
0xed: {  	v10 =	vperm.xlane v20, v3;
	v31 =	vshll.u32 v4, $0x10;
	v16 =	vmul.f32 v16, v12;
	s7 =	sadd.s32 $0x400, s7;
	v32 =	vld [tilespmem:s26+$0x80];
	[tilespmem:s9+$0x60] =	vst v13  }
0xee: {  	v6 =	vperm.xlane v20, v23;
	v5 =	vperm.xlane v20, v25;
	v13 =	vand.u32 $0xFFFF0000, v4;
	[tilespmem:s7+$0x180] =	vst v21  }
0xef: {  	v3 =	vperm.xlane v20, v29;
	v4 =	vperm.xlane v20, v27;
	v21 =	vshll.u32 v18, $0x10;
	[tilespmem:s7+$0x190] =	vst v16  }
0xf0: {  	v20 =	vperm.xlane v20, v30;
	v16 =	vand.u32 $0xFFFF0000, v18;
	v18 =	vshll.u32 v24, $0x10;
	v23 =	vld [tilespmem:s26+$0xD0];
	[tilespmem:s9+$0x70] =	vst v17  }
0xf1: {  	v25 =	vand.u32 $0xFFFF0000, v26;
	v17 =	vand.u32 $0xFFFF0000, v24;
	v24 =	vshll.u32 v26, $0x10;
	[tilespmem:s9+$0xE0] =	vst v19  }
0xf2: {  	v26 =	vand.u32 $0xFFFF0000, v28;
	v19 =	vshll.u32 v28, $0x10;
	v27 =	vshll.u32 v15, $0x10;
	[tilespmem:s9+$0xF0] =	vst v22  }
0xf3: {  	v15 =	vand.u32 $0xFFFF0000, v15;
	v22 =	vshll.u32 v32, $0x10;
	v28 =	vand.u32 $0xFFFF0000, v32;
	[tilespmem:s21+$0x160] =	vst v8  }
0xf4: {  	v29 =	vshll.u32 v14, $0x10;
	v13 =	vmul.f32 v13, v11;
	v8 =	vmul.f32 v31, v11;
	[tilespmem:s21+$0x170] =	vst v7;
	s21 =	smov.u32 s9;
	s9 =	smov.u32 s7  }
0xf5: {  	v16 =	vmul.f32 v16, v10;
	v7 =	vmul.f32 v21, v10;
	v21 =	vshll.u32 v23, $0x10;
	[tilespmem:s21+$0x1E0] =	vst v9  }
0xf6: {  	v9 =	vand.u32 $0xFFFF0000, v23;
	[tilespmem:s7+$0xFFFFFE00] =	vst v8;
	v8 =	vmul.f32 v18, v6;
	v18 =	vmul.f32 v21, v12  }
0xf7: {  	v14 =	vand.u32 $0xFFFF0000, v14;
	v9 =	vmul.f32 v9, v12;
	[tilespmem:s7+$0xFFFFFE10] =	vst v13;
	v13 =	vmul.f32 v17, v6  }
0xf8: {  	v23 =	vmul.f32 v25, v5;
	v21 =	vmul.f32 v24, v5;
	v17 =	vld [tilespmem:s26+$0xFFFFFF10];
	[tilespmem:s7+$0x1A0] =	vst v18  }
0xf9: {  	v18 =	vmul.f32 v19, v4;
	v19 =	vmul.f32 v26, v4;
	[tilespmem:s7+$0x1B0] =	vst v9  }
0xfa: {  	v15 =	vmul.f32 v15, v3;
	v9 =	vmul.f32 v27, v3;
	[tilespmem:s7+$0xFFFFFE80] =	vst v7;
	v24 =	vld [tilespmem:s26+$0xE0]  }
0xfb: {  	[tilespmem:s7+$0xFFFFFE90] =	vst v16;
	v16 =	vmul.f32 v22, v20;
	v22 =	vmul.f32 v28, v20  }
0xfc: {  	v7 =	vmul.f32 v14, v2;
	v25 =	vld [tilespmem:s26+$0xFFFFFF50];
	[tilespmem:s7+$0xFFFFFF00] =	vst v8;
	v8 =	vmul.f32 v29, v2;
	v2 =	vmov v20  }
0xfd: {  	v14 =	vshll.u32 v17, $0x10;
	v17 =	vand.u32 $0xFFFF0000, v17;
	[tilespmem:s7+$0xFFFFFF10] =	vst v13  }
0xfe: {  	v13 =	vmul.f32 v14, v11;
	v14 =	vmul.f32 v17, v11;
	v17 =	vld [tilespmem:s26+$0xFFFFFF90];
	[tilespmem:s7+$0xFFFFFF80] =	vst v21  }
0xff: {  	[tilespmem:s7+$0xFFFFFF90] =	vst v23;
	v20 =	vshll.u32 v24, $0x10  }
0x100: {  	v21 =	vld [tilespmem:s26+$0xFFFFFFD0];
	[tilespmem:s7+$0x0] =	vst v18;
	v18 =	vand.u32 $0xFFFF0000, v24;
	v20 =	vmul.f32 v20, v12  }
0x101: {  	v23 =	vshll.u32 v25, $0x10;
	v24 =	vand.u32 $0xFFFF0000, v25;
	[tilespmem:s7+$0x10] =	vst v19;
	v18 =	vmul.f32 v18, v12  }
0x102: {  	v19 =	vmul.f32 v23, v10;
	v23 =	vmul.f32 v24, v10;
	v24 =	vld [tilespmem:s26+$0x10];
	[tilespmem:s7+$0x1C0] =	vst v20  }
0x103: {  	v20 =	vshll.u32 v17, $0x10;
	v17 =	vand.u32 $0xFFFF0000, v17;
	[tilespmem:s7+$0x1D0] =	vst v18  }
0x104: {  	v18 =	vmul.f32 v20, v6;
	v17 =	vmul.f32 v17, v6;
	[tilespmem:s7+$0x80] =	vst v9;
	v9 =	vld [tilespmem:s26+$0xF0]  }
0x105: {  	v20 =	vshll.u32 v21, $0x10;
	v21 =	vand.u32 $0xFFFF0000, v21;
	[tilespmem:s7+$0x90] =	vst v15  }
0x106: {  	v15 =	vmul.f32 v20, v5;
	v20 =	vmul.f32 v21, v5;
	v21 =	vld [tilespmem:s26+$0x50];
	[tilespmem:s7+$0x100] =	vst v16  }
0x107: {  	v16 =	vshll.u32 v24, $0x10;
	v24 =	vand.u32 $0xFFFF0000, v24;
	[tilespmem:s7+$0x110] =	vst v22  }
0x108: {  	[tilespmem:s7+$0xFFFFFE20] =	vst v13;
	v13 =	vmul.f32 v16, v4;
	v16 =	vmul.f32 v24, v4;
	v22 =	vld [tilespmem:s26+$0x90]  }
0x109: {  	[tilespmem:s7+$0xFFFFFE30] =	vst v14;
	v14 =	vshll.u32 v9, $0x10;
	v24 =	vand.u32 $0xFFFF0000, v9  }
0x10a: {  	v25 =	vld [tilespmem:s26+$0xFFFFFF20];
	[tilespmem:s7+$0xFFFFFEA0] =	vst v19;
	v9 =	vmul.f32 v14, v12;
	v12 =	vmul.f32 v24, v12  }
0x10b: {  	[tilespmem:s7+$0xFFFFFEB0] =	vst v23;
	v14 =	vshll.u32 v21, $0x10;
	v19 =	vand.u32 $0xFFFF0000, v21  }
0x10c: {  	v21 =	vld [tilespmem:s26+$0xFFFFFF60];
	v14 =	vmul.f32 v14, v3;
	v19 =	vmul.f32 v19, v3;
	[tilespmem:s7+$0x1F0] =	vst v12  }
0x10d: {  	[tilespmem:s7+$0xFFFFFF20] =	vst v18;
	v12 =	vshll.u32 v22, $0x10;
	v18 =	vand.u32 $0xFFFF0000, v22  }
0x10e: {  	[tilespmem:s7+$0xFFFFFF30] =	vst v17;
	v12 =	vmul.f32 v12, v2;
	v17 =	vmul.f32 v18, v2  }
0x10f: {  	v18 =	vshll.u32 v25, $0x10;
	v22 =	vand.u32 $0xFFFF0000, v25;
	v23 =	vld [tilespmem:s26+$0xFFFFFFA0];
	[tilespmem:s7+$0xFFFFFFA0] =	vst v15  }
0x110: {  	v15 =	vmul.f32 v18, v11;
	v18 =	vmul.f32 v22, v11;
	[tilespmem:s7+$0xFFFFFFB0] =	vst v20  }
0x111: {  	v20 =	vshll.u32 v21, $0x10;
	v21 =	vand.u32 $0xFFFF0000, v21;
	v22 =	vld [tilespmem:s26+$0xFFFFFFE0];
	[tilespmem:s7+$0x20] =	vst v13  }
0x112: {  	v13 =	vmul.f32 v20, v10;
	v20 =	vmul.f32 v21, v10;
	[tilespmem:s7+$0x30] =	vst v16  }
0x113: {  	v16 =	vld [tilespmem:s26+$0x20];
	[tilespmem:s7+$0xA0] =	vst v14  }
0x114: {  	v14 =	vshll.u32 v23, $0x10;
	v21 =	vand.u32 $0xFFFF0000, v23;
	[tilespmem:s7+$0xB0] =	vst v19  }
0x115: {  	v14 =	vmul.f32 v14, v6;
	v19 =	vmul.f32 v21, v6;
	v21 =	vld [tilespmem:s26+$0x60];
	[tilespmem:s7+$0x120] =	vst v12  }
0x116: {  	v12 =	vshll.u32 v22, $0x10;
	v22 =	vand.u32 $0xFFFF0000, v22;
	[tilespmem:s7+$0x130] =	vst v17  }
0x117: {  	[tilespmem:s7+$0xFFFFFE40] =	vst v15;
	v12 =	vmul.f32 v12, v5;
	v15 =	vmul.f32 v22, v5;
	v17 =	vld [tilespmem:s26+$0xA0]  }
0x118: {  	[tilespmem:s7+$0xFFFFFE50] =	vst v18;
	v18 =	vshll.u32 v16, $0x10;
	v16 =	vand.u32 $0xFFFF0000, v16  }
0x119: {  	v22 =	vld [tilespmem:s26+$0xFFFFFF30];
	[tilespmem:s7+$0xFFFFFEC0] =	vst v13;
	v13 =	vmul.f32 v18, v4;
	v18 =	vmul.f32 v16, v4  }
0x11a: {  	[tilespmem:s7+$0xFFFFFED0] =	vst v20;
	v16 =	vshll.u32 v21, $0x10;
	v20 =	vand.u32 $0xFFFF0000, v21  }
0x11b: {  	v21 =	vld [tilespmem:s26+$0xFFFFFF70];
	[tilespmem:s7+$0xFFFFFF40] =	vst v14;
	v23 =	vmul.f32 v16, v3;
	v20 =	vmul.f32 v20, v3  }
0x11c: {  	[tilespmem:s7+$0xFFFFFF50] =	vst v19;
	v14 =	vshll.u32 v17, $0x10;
	v17 =	vand.u32 $0xFFFF0000, v17  }
0x11d: {  	v24 =	vld [tilespmem:s26+$0xFFFFFFB0];
	[tilespmem:s7+$0xFFFFFFC0] =	vst v12;
	v16 =	vmul.f32 v14, v2;
	v12 =	vmul.f32 v17, v2  }
.Ltmp1:
0x11e: {  	v14 =	vshll.u32 v22, $0x10;
	v17 =	vand.u32 $0xFFFF0000, v22;
	[tilespmem:s7+$0xFFFFFFD0] =	vst v15;
	(pc) =	sbr.rel @p0 .LBB2_5-.Ltmp1, $4  }
0x11f: {  	v15 =	vmul.f32 v14, v11;
	v14 =	vmul.f32 v17, v11;
	v17 =	vld [tilespmem:s26+$0xFFFFFFF0];
	[tilespmem:s7+$0x40] =	vst v13  }
0x120: {  	v11 =	vshll.u32 v21, $0x10;
	v19 =	vand.u32 $0xFFFF0000, v21;
	[tilespmem:s7+$0x50] =	vst v18  }
0x121: {  	v13 =	vmul.f32 v11, v10;
	v10 =	vmul.f32 v19, v10;
	v11 =	vld [tilespmem:s26+$0x30];
	[tilespmem:s7+$0xC0] =	vst v23  }
0x122: {  	v19 =	vshll.u32 v24, $0x10;
	v18 =	vand.u32 $0xFFFF0000, v24;
	[tilespmem:s7+$0xD0] =	vst v20  }
0x123: {  	[tilespmem:s7+$0x140] =	vst v16  }
0x124: {  	[tilespmem:s7+$0x150] =	vst v12  }
0x125: {  	[tilespmem:s7+$0xFFFFFE60] =	vst v15  }
0x126: {  	[tilespmem:s7+$0xFFFFFE70] =	vst v14  }
0x127: {  	[tilespmem:s7+$0xFFFFFEE0] =	vst v13  }
0x128: {  	[tilespmem:s7+$0xFFFFFEF0] =	vst v10  }
0x129: {  	v12 =	vld [tilespmem:s26+$0x70];
	[tilespmem:s21+$0x160] =	vst v8  }
0x12a: {  	v1 =	vmul.f32 v19, v6;
	[tilespmem:s21+$0x170] =	vst v7  }
0x12b: {  	v6 =	vmul.f32 v18, v6;
	[tilespmem:s9+$0x1E0] =	vst v9;
	v10 =	vand.u32 $0xFFFF0000, v17  }
0x12c: {  	v13 =	vshll.u32 v17, $0x10;
	[tilespmem:s7+$0xFFFFFF60] =	vst v1;
	v1 =	vmul.f32 v10, v5;
	v10 =	vld [tilespmem:s26+$0xB0]  }
0x12d: {  	v13 =	vmul.f32 v13, v5;
	[tilespmem:s7+$0xFFFFFF70] =	vst v6;
	v5 =	vshll.u32 v11, $0x10  }
0x12e: {  	v5 =	vmul.f32 v5, v4;
	[tilespmem:s7+$0xFFFFFFF0] =	vst v1;
	v1 =	vand.u32 $0xFFFF0000, v12  }
0x12f: {  	v6 =	vand.u32 $0xFFFF0000, v11;
	[tilespmem:s7+$0xFFFFFFE0] =	vst v13;
	v1 =	vmul.f32 v1, v3  }
0x130: {  	v4 =	vmul.f32 v6, v4;
	v6 =	vshll.u32 v12, $0x10;
	[tilespmem:s9+$0x60] =	vst v5  }
0x131: {  	v6 =	vmul.f32 v6, v3;
	[tilespmem:s9+$0xF0] =	vst v1;
	v1 =	vshll.u32 v10, $0x10  }
0x132: {  	[tilespmem:s9+$0x70] =	vst v4;
	v3 =	vand.u32 $0xFFFF0000, v10;
	v1 =	vmul.f32 v1, v2  }
0x133: {  	p0 =	seq.s32 s0, $0x4E;
	[tilespmem:s9+$0xE0] =	vst v6;
	v2 =	vmul.f32 v3, v2  }
0x134: {  	s14 =	sadd.s32 $0x2780, s25;
	s25 =	sor.u32 $0x100, s22;
	s21 =	sshrl.u32 @!p0 s22, $0x2;
	[tilespmem:s9+$0x160] =	vst v1  }
0x135: {  	s6 =	simm.s32 @!p0 $0x40;
	s1 =	sadd.s32 @!p0 $0x80, s21;
	s7 =	simm.s32 @!p0 $0x7680;
	[tilespmem:s9+$0x170] =	vst v2  }
0x136: {  	[tilespmem:s7], [sflag:$0x1] =	stream.indirect.gather @!p0 [hbm4b:s2+s6], $0x40, s1, s6, $0xb8;
	[tilespmem:$0x1F280] =	vst v63  }
0x137: {  	s22 =	sshrl.u32 s25, $0x2  }
0x138: {  	[spmem:s3] =	stream.indirect.scatter.add.f32 [tilespmem:s23], [sflag:$0x3], $0x80, s14, s24, $0xb8;
	[tilespmem:$0x1F280] =	vst v63  }
0x139: {  	s1 =	sadd.s32 $0x4F00, s22;
	_ =	swait.ge [sflag:s20], $0x2000  }
0x13a: {  	v1 =	vmov s1;
	[sflag:s20] =	ssyncset.done $0x0  }
0x13b: {  	[sflag:s20] =	ssyncadd.s32 $0xFFFFE000  }
0x13c: {  	_ =	swait.ge [sflag:s29], $0x1000  }
0x13d: {  	s26 =	simm.s32 $0x0;
	[sflag:s29] =	ssyncset.done $0x0  }
0x13e: {  	s10 =	sand.u32 $0x30, s26;
	[sflag:s29] =	ssyncadd.s32 $0xFFFFF000  }
0x13f: {  	s11 =	simm.s32 $0x0;
	s9 =	simm.s32 $0x8780;
	v7 =	vld.idx.msk [tilespmem:v1+s10+$0x0 ss:$0x1], $0xffff  }
0x140: {  	s12 =	sand.u32 $0xFFFFFFF0, s11;
	v3 =	vld [tilespmem:s9+$0xC0]  }
0x141: {  	s7 =	ssub.s32 $0xFFFFFFF8, s12  }
0x142: {  	s10 =	sadd.s32 $0xF, s7  }
0x143: {  	v2 =	vmov s10  }
0x144: {  	v2 =	vperm.xlane v7, v2  }
0x145: {  	v4 =	vshll.u32 v3, $0x10  }
0x146: {  	v3 =	vand.u32 $0xFFFF0000, v3;
	v4 =	vmul.f32 v4, v2  }
0x147: {  	s25 =	simm.s32 $0x9880;
	v3 =	vmul.f32 v3, v2  }
0x148: {  	v5 =	vld [tilespmem:s9+$0xFFFFFF00];
	[tilespmem:s25+$0x180] =	vst v4  }
0x149: {  	v9 =	vld [tilespmem:s9+$0xFFFFFF40];
	[tilespmem:s25+$0x190] =	vst v3  }
0x14a: {  	s1 =	sand.u32 $0x8, s26;
	v3 =	vld [tilespmem:s9+$0xD0]  }
0x14b: {  	v4 =	vmov s1  }
0x14c: {  	v4 =	vperm.xlane v7, v4  }
0x14d: {  	s13 =	ssub.s32 $0x0, s12;
	v10 =	vld [tilespmem:s9+$0xFFFFFF80];
	v6 =	vshll.u32 v5, $0x10  }
0x14e: {  	s6 =	sadd.s32 $0x1, s13;
	v5 =	vand.u32 $0xFFFF0000, v5;
	v13 =	vshll.u32 v9, $0x10;
	v8 =	vmul.f32 v6, v4  }
0x14f: {  	v6 =	vmov s6;
	v5 =	vmul.f32 v5, v4;
	v11 =	vshll.u32 v3, $0x10  }
0x150: {  	s14 =	sadd.s32 $0x2, s13;
	v12 =	vld [tilespmem:s9+$0xFFFFFFC0];
	v6 =	vperm.xlane v7, v6;
	[tilespmem:s25+$0xFFFFFE00] =	vst v8;
	v3 =	vand.u32 $0xFFFF0000, v3;
	v11 =	vmul.f32 v11, v2  }
0x151: {  	v8 =	vmov s14;
	[tilespmem:s25+$0xFFFFFE10] =	vst v5;
	v5 =	vand.u32 $0xFFFF0000, v9;
	v3 =	vmul.f32 v3, v2  }
0x152: {  	s26 =	sadd.s32 $0xB, s7;
	v14 =	vld [tilespmem:s9+$0x0];
	v8 =	vperm.xlane v7, v8;
	v9 =	vmul.f32 v13, v6;
	v13 =	vshll.u32 v10, $0x10;
	[tilespmem:s25+$0x1A0] =	vst v11  }
0x153: {  	v5 =	vmul.f32 v5, v6;
	v10 =	vand.u32 $0xFFFF0000, v10;
	v11 =	vmov s26;
	[tilespmem:s25+$0x1B0] =	vst v3  }
0x154: {  	s10 =	sadd.s32 $0xC, s7;
	[tilespmem:s25+$0xFFFFFE80] =	vst v9;
	v10 =	vmul.f32 v10, v8;
	v3 =	vperm.xlane v7, v11;
	v9 =	vld [tilespmem:s9+$0xE0]  }
0x155: {  	v15 =	vshll.u32 v12, $0x10;
	[tilespmem:s25+$0xFFFFFE90] =	vst v5;
	v11 =	vmul.f32 v13, v8;
	v13 =	vmov s10  }
0x156: {  	v16 =	vld [tilespmem:s9+$0x40];
	v12 =	vand.u32 $0xFFFF0000, v12;
	[tilespmem:s25+$0xFFFFFF10] =	vst v10;
	v5 =	vperm.xlane v7, v13;
	v13 =	vmul.f32 v15, v3  }
0x157: {  	[tilespmem:s25+$0xFFFFFF00] =	vst v11;
	v11 =	vshll.u32 v14, $0x10;
	v12 =	vmul.f32 v12, v3  }
0x158: {  	s11 =	sadd.s32 $0x5, s13;
	v10 =	vand.u32 $0xFFFF0000, v14;
	v15 =	vld [tilespmem:s9+$0x80];
	v11 =	vmul.f32 v11, v5;
	[tilespmem:s25+$0xFFFFFF80] =	vst v13  }
0x159: {  	v14 =	vmul.f32 v10, v5;
	v13 =	vmov s11;
	[tilespmem:s25+$0xFFFFFF90] =	vst v12;
	v12 =	vshll.u32 v9, $0x10  }
0x15a: {  	s1 =	sadd.s32 $0x6, s13;
	v10 =	vperm.xlane v7, v13;
	v13 =	vld [tilespmem:s9+$0xFFFFFF10];
	[tilespmem:s25+$0x0] =	vst v11;
	v9 =	vand.u32 $0xFFFF0000, v9;
	v11 =	vmul.f32 v12, v2  }
0x15b: {  	v17 =	vshll.u32 v16, $0x10;
	[tilespmem:s25+$0x10] =	vst v14;
	v12 =	vmov s1;
	v9 =	vmul.f32 v9, v2  }
0x15c: {  	v7 =	vperm.xlane v7, v12;
	v12 =	vand.u32 $0xFFFF0000, v16;
	v14 =	vmul.f32 v17, v10;
	v16 =	vld [tilespmem:s9+$0xFFFFFF50];
	[tilespmem:s25+$0x1C0] =	vst v11  }
0x15d: {  	v11 =	vshll.u32 v15, $0x10;
	v12 =	vmul.f32 v12, v10;
	[tilespmem:s25+$0x1D0] =	vst v9  }
0x15e: {  	v17 =	vld [tilespmem:s9+$0xFFFFFF90];
	v9 =	vand.u32 $0xFFFF0000, v15;
	v15 =	vmul.f32 v11, v7;
	[tilespmem:s25+$0x80] =	vst v14  }
0x15f: {  	v11 =	vld [tilespmem:s9+$0xF0];
	v9 =	vmul.f32 v9, v7;
	v14 =	vshll.u32 v13, $0x10;
	[tilespmem:s25+$0x90] =	vst v12  }
0x160: {  	v12 =	vand.u32 $0xFFFF0000, v13;
	v13 =	vmul.f32 v14, v4;
	[tilespmem:s25+$0x100] =	vst v15  }
0x161: {  	v12 =	vmul.f32 v12, v4;
	v14 =	vld [tilespmem:s9+$0xFFFFFFD0];
	[tilespmem:s25+$0x110] =	vst v9;
	v15 =	vshll.u32 v16, $0x10  }
0x162: {  	v9 =	vand.u32 $0xFFFF0000, v16;
	v15 =	vmul.f32 v15, v6;
	[tilespmem:s25+$0xFFFFFE20] =	vst v13  }
0x163: {  	v16 =	vshll.u32 v17, $0x10;
	v9 =	vmul.f32 v9, v6;
	v13 =	vld [tilespmem:s9+$0x10];
	[tilespmem:s25+$0xFFFFFE30] =	vst v12  }
0x164: {  	v16 =	vmul.f32 v16, v8;
	v12 =	vand.u32 $0xFFFF0000, v11;
	[tilespmem:s25+$0xFFFFFEA0] =	vst v15  }
0x165: {  	v12 =	vmul.f32 v12, v2;
	v15 =	vand.u32 $0xFFFF0000, v17;
	v17 =	vld [tilespmem:s9+$0x50];
	[tilespmem:s25+$0xFFFFFEB0] =	vst v9  }
0x166: {  	[tilespmem:s25+$0xFFFFFF20] =	vst v16;
	v9 =	vmul.f32 v15, v8;
	v15 =	vshll.u32 v14, $0x10  }
0x167: {  	[tilespmem:s25+$0x1F0] =	vst v12;
	v12 =	vand.u32 $0xFFFF0000, v14;
	v14 =	vmul.f32 v15, v3;
	v15 =	vld [tilespmem:s9+$0x90]  }
0x168: {  	v12 =	vmul.f32 v12, v3;
	v16 =	vshll.u32 v13, $0x10;
	[tilespmem:s25+$0xFFFFFF30] =	vst v9  }
0x169: {  	v9 =	vand.u32 $0xFFFF0000, v13;
	v13 =	vmul.f32 v16, v5;
	v16 =	vld [tilespmem:s9+$0xFFFFFF20];
	[tilespmem:s25+$0xFFFFFFA0] =	vst v14  }
0x16a: {  	v9 =	vmul.f32 v9, v5;
	v14 =	vshll.u32 v17, $0x10;
	[tilespmem:s25+$0xFFFFFFB0] =	vst v12  }
0x16b: {  	v12 =	vand.u32 $0xFFFF0000, v17;
	v17 =	vld [tilespmem:s9+$0xFFFFFF60];
	v14 =	vmul.f32 v14, v10;
	[tilespmem:s25+$0x20] =	vst v13  }
0x16c: {  	v12 =	vmul.f32 v12, v10;
	[tilespmem:s25+$0x30] =	vst v9;
	v13 =	vshll.u32 v15, $0x10  }
0x16d: {  	v9 =	vand.u32 $0xFFFF0000, v15;
	v15 =	vld [tilespmem:s9+$0xFFFFFFA0];
	v13 =	vmul.f32 v13, v7;
	[tilespmem:s25+$0xA0] =	vst v14  }
0x16e: {  	v9 =	vmul.f32 v9, v7;
	[tilespmem:s25+$0xB0] =	vst v12;
	v14 =	vshll.u32 v16, $0x10  }
0x16f: {  	v12 =	vand.u32 $0xFFFF0000, v16;
	v16 =	vld [tilespmem:s9+$0xFFFFFFE0];
	v14 =	vmul.f32 v14, v4;
	[tilespmem:s25+$0x120] =	vst v13  }
0x170: {  	v12 =	vmul.f32 v12, v4;
	v13 =	vshll.u32 v17, $0x10;
	[tilespmem:s25+$0x130] =	vst v9  }
0x171: {  	v9 =	vand.u32 $0xFFFF0000, v17;
	v17 =	vld [tilespmem:s9+$0x20];
	v13 =	vmul.f32 v13, v6;
	[tilespmem:s25+$0xFFFFFE40] =	vst v14  }
0x172: {  	v9 =	vmul.f32 v9, v6;
	v14 =	vshll.u32 v15, $0x10;
	[tilespmem:s25+$0xFFFFFE50] =	vst v12  }
0x173: {  	v12 =	vand.u32 $0xFFFF0000, v15;
	v15 =	vld [tilespmem:s9+$0x60];
	v14 =	vmul.f32 v14, v8;
	[tilespmem:s25+$0xFFFFFEC0] =	vst v13  }
0x174: {  	v12 =	vmul.f32 v12, v8;
	[tilespmem:s25+$0xFFFFFED0] =	vst v9;
	v13 =	vshll.u32 v16, $0x10  }
0x175: {  	v9 =	vand.u32 $0xFFFF0000, v16;
	v16 =	vld [tilespmem:s9+$0xA0];
	v13 =	vmul.f32 v13, v3;
	[tilespmem:s25+$0xFFFFFF40] =	vst v14  }
0x176: {  	v9 =	vmul.f32 v9, v3;
	v14 =	vshll.u32 v17, $0x10;
	[tilespmem:s25+$0xFFFFFF50] =	vst v12  }
0x177: {  	v12 =	vand.u32 $0xFFFF0000, v17;
	v17 =	vld [tilespmem:s9+$0xFFFFFF30];
	v14 =	vmul.f32 v14, v5;
	[tilespmem:s25+$0xFFFFFFC0] =	vst v13  }
0x178: {  	v12 =	vmul.f32 v12, v5;
	v13 =	vshll.u32 v15, $0x10;
	[tilespmem:s25+$0xFFFFFFD0] =	vst v9  }
0x179: {  	v9 =	vand.u32 $0xFFFF0000, v15;
	v15 =	vld [tilespmem:s9+$0xFFFFFF70];
	v13 =	vmul.f32 v13, v10;
	[tilespmem:s25+$0x40] =	vst v14  }
0x17a: {  	v9 =	vmul.f32 v9, v10;
	[tilespmem:s25+$0x50] =	vst v12;
	v14 =	vshll.u32 v16, $0x10  }
0x17b: {  	s1 =	simm.s32 $0x8;
	v12 =	vand.u32 $0xFFFF0000, v16;
	v16 =	vld [tilespmem:s9+$0xFFFFFFB0];
	v14 =	vmul.f32 v14, v7;
	[tilespmem:s25+$0xC0] =	vst v13  }
0x17c: {  	s12 =	sand.u32 $0x30, s1;
	v18 =	vld [tilespmem:s9+$0xFFFFFFF0];
	v12 =	vmul.f32 v12, v7;
	v13 =	vshll.u32 v17, $0x10;
	[tilespmem:s25+$0xD0] =	vst v9  }
0x17d: {  	s6 =	simm.s32 $0x8;
	s26 =	simm.s32 $0x8980;
	v9 =	vand.u32 $0xFFFF0000, v17;
	v13 =	vmul.f32 v13, v4;
	[tilespmem:s25+$0x140] =	vst v14;
	v14 =	vld.idx.msk [tilespmem:v1+s12+$0x0 ss:$0x1], $0xffff  }
0x17e: {  	s11 =	sand.u32 $0xFFFFFFF0, s6;
	v4 =	vmul.f32 v9, v4;
	v9 =	vshll.u32 v15, $0x10;
	[tilespmem:s25+$0x150] =	vst v12;
	v12 =	vld [tilespmem:s26+$0xC0]  }
0x17f: {  	s10 =	ssub.s32 $0x0, s11;
	v15 =	vand.u32 $0xFFFF0000, v15;
	v9 =	vmul.f32 v9, v6;
	[tilespmem:s25+$0xFFFFFE60] =	vst v13  }
0x180: {  	s13 =	sadd.s32 $0xF, s10;
	v6 =	vmul.f32 v15, v6;
	[tilespmem:s25+$0xFFFFFE70] =	vst v4;
	v13 =	vshll.u32 v16, $0x10  }
0x181: {  	v15 =	vand.u32 $0xFFFF0000, v16;
	v13 =	vmul.f32 v13, v8;
	[tilespmem:s25+$0xFFFFFEE0] =	vst v9;
	v9 =	vmov s13  }
0x182: {  	v4 =	vld [tilespmem:s9+$0x30];
	v8 =	vmul.f32 v15, v8;
	v15 =	vshll.u32 v18, $0x10;
	[tilespmem:s25+$0xFFFFFEF0] =	vst v6;
	v9 =	vperm.xlane v14, v9  }
0x183: {  	v6 =	vld [tilespmem:s9+$0x70];
	v15 =	vmul.f32 v15, v3;
	[tilespmem:s25+$0xFFFFFF60] =	vst v13;
	v13 =	vshll.u32 v12, $0x10  }
0x184: {  	[tilespmem:s25+$0xFFFFFF70] =	vst v8;
	v8 =	vand.u32 $0xFFFF0000, v12;
	v12 =	vmul.f32 v13, v9  }
0x185: {  	s7 =	simm.s32 $0x9C80;
	[tilespmem:s25+$0xFFFFFFE0] =	vst v15;
	v13 =	vand.u32 $0xFFFF0000, v18;
	v8 =	vmul.f32 v8, v9  }
0x186: {  	v11 =	vshll.u32 v11, $0x10;
	v15 =	vld [tilespmem:s26+$0xFFFFFF00];
	v3 =	vmul.f32 v13, v3;
	[tilespmem:s7+$0x180] =	vst v12  }
0x187: {  	v2 =	vmul.f32 v11, v2;
	v13 =	vshll.u32 v4, $0x10;
	v4 =	vand.u32 $0xFFFF0000, v4;
	[tilespmem:s7+$0x190] =	vst v8  }
0x188: {  	s12 =	sand.u32 $0x8, s1;
	v12 =	vmul.f32 v13, v5;
	v4 =	vmul.f32 v4, v5;
	v5 =	vshll.u32 v6, $0x10;
	[tilespmem:s25+$0xFFFFFFF0] =	vst v3;
	v3 =	vld [tilespmem:s26+$0xD0]  }
0x189: {  	[tilespmem:s25+$0x1E0] =	vst v2;
	v8 =	vmov s12;
	v6 =	vand.u32 $0xFFFF0000, v6;
	v5 =	vmul.f32 v5, v10  }
0x18a: {  	v6 =	vmul.f32 v6, v10;
	v10 =	vperm.xlane v14, v8;
	[tilespmem:s25+$0x60] =	vst v12;
	v12 =	vld [tilespmem:s26+$0xFFFFFF40]  }
0x18b: {  	s11 =	ssub.s32 $0x8, s11;
	[tilespmem:s25+$0x70] =	vst v4;
	v4 =	vshll.u32 v15, $0x10  }
0x18c: {  	s14 =	sadd.s32 $0x1, s11;
	v8 =	vld [tilespmem:s26+$0xFFFFFF80];
	[tilespmem:s25+$0xE0] =	vst v5;
	v5 =	vand.u32 $0xFFFF0000, v15;
	v4 =	vmul.f32 v4, v10  }
0x18d: {  	[tilespmem:s25+$0xF0] =	vst v6;
	v6 =	vmov s14;
	v5 =	vmul.f32 v5, v10;
	v13 =	vshll.u32 v3, $0x10  }
0x18e: {  	v2 =	vld [tilespmem:s26+$0xFFFFFFC0];
	s13 =	sadd.s32 $0x2, s11;
	v11 =	vperm.xlane v14, v6;
	[tilespmem:s7+$0xFFFFFE00] =	vst v4;
	v3 =	vand.u32 $0xFFFF0000, v3;
	v4 =	vmul.f32 v13, v9  }
0x18f: {  	v6 =	vmov s13;
	[tilespmem:s7+$0xFFFFFE10] =	vst v5;
	v13 =	vshll.u32 v12, $0x10;
	v3 =	vmul.f32 v3, v9  }
0x190: {  	s14 =	sadd.s32 $0xB, s10;
	v15 =	vld [tilespmem:s26+$0x0];
	v6 =	vperm.xlane v14, v6;
	v5 =	vand.u32 $0xFFFF0000, v12;
	v12 =	vmul.f32 v13, v11;
	[tilespmem:s7+$0x1A0] =	vst v4  }
0x191: {  	v13 =	vshll.u32 v8, $0x10;
	v16 =	vmul.f32 v5, v11;
	v4 =	vmov s14;
	[tilespmem:s7+$0x1B0] =	vst v3  }
0x192: {  	s10 =	sadd.s32 $0xC, s10;
	v3 =	vand.u32 $0xFFFF0000, v8;
	v8 =	vmul.f32 v13, v6;
	v5 =	vperm.xlane v14, v4;
	[tilespmem:s7+$0xFFFFFE80] =	vst v12;
	v12 =	vld [tilespmem:s26+$0xE0]  }
0x193: {  	v13 =	vshll.u32 v2, $0x10;
	v4 =	vmov s10;
	v3 =	vmul.f32 v3, v6;
	[tilespmem:s7+$0xFFFFFE90] =	vst v16  }
0x194: {  	v2 =	vand.u32 $0xFFFF0000, v2;
	v16 =	vld [tilespmem:s26+$0x40];
	v4 =	vperm.xlane v14, v4;
	[tilespmem:s7+$0xFFFFFF00] =	vst v8;
	v13 =	vmul.f32 v13, v5  }
0x195: {  	v8 =	vshll.u32 v15, $0x10;
	v2 =	vmul.f32 v2, v5;
	[tilespmem:s7+$0xFFFFFF10] =	vst v3  }
0x196: {  	v17 =	vld [tilespmem:s26+$0x80];
	s13 =	sadd.s32 $0x5, s11;
	v3 =	vand.u32 $0xFFFF0000, v15;
	v8 =	vmul.f32 v8, v4;
	[tilespmem:s7+$0xFFFFFF80] =	vst v13  }
0x197: {  	v15 =	vmul.f32 v3, v4;
	v13 =	vmov s13;
	[tilespmem:s7+$0xFFFFFF90] =	vst v2;
	v2 =	vshll.u32 v12, $0x10  }
0x198: {  	s14 =	sadd.s32 $0x6, s11;
	v3 =	vperm.xlane v14, v13;
	v13 =	vld [tilespmem:s26+$0xFFFFFF10];
	[tilespmem:s7+$0x0] =	vst v8;
	v8 =	vand.u32 $0xFFFF0000, v12;
	v12 =	vmul.f32 v2, v9  }
0x199: {  	v18 =	vshll.u32 v16, $0x10;
	[tilespmem:s7+$0x10] =	vst v15;
	v2 =	vmov s14;
	v8 =	vmul.f32 v8, v9  }
0x19a: {  	v2 =	vperm.xlane v14, v2;
	v14 =	vand.u32 $0xFFFF0000, v16;
	v15 =	vmul.f32 v18, v3;
	v16 =	vld [tilespmem:s26+$0xFFFFFF50];
	[tilespmem:s7+$0x1C0] =	vst v12  }
0x19b: {  	v12 =	vshll.u32 v17, $0x10;
	v14 =	vmul.f32 v14, v3;
	[tilespmem:s7+$0x1D0] =	vst v8  }
0x19c: {  	v18 =	vld [tilespmem:s26+$0xFFFFFF90];
	v8 =	vand.u32 $0xFFFF0000, v17;
	v12 =	vmul.f32 v12, v2;
	[tilespmem:s7+$0x80] =	vst v15  }
0x19d: {  	v15 =	vld [tilespmem:s26+$0xF0];
	v8 =	vmul.f32 v8, v2;
	v17 =	vshll.u32 v13, $0x10;
	[tilespmem:s7+$0x90] =	vst v14  }
0x19e: {  	v13 =	vand.u32 $0xFFFF0000, v13;
	v14 =	vmul.f32 v17, v10;
	[tilespmem:s7+$0x100] =	vst v12  }
0x19f: {  	v12 =	vmul.f32 v13, v10;
	v13 =	vld [tilespmem:s26+$0xFFFFFFD0];
	[tilespmem:s7+$0x110] =	vst v8;
	v17 =	vshll.u32 v16, $0x10  }
0x1a0: {  	v8 =	vand.u32 $0xFFFF0000, v16;
	v16 =	vmul.f32 v17, v11;
	[tilespmem:s7+$0xFFFFFE20] =	vst v14  }
0x1a1: {  	v8 =	vmul.f32 v8, v11;
	v14 =	vld [tilespmem:s26+$0x10];
	[tilespmem:s7+$0xFFFFFE30] =	vst v12;
	v17 =	vshll.u32 v18, $0x10  }
0x1a2: {  	v12 =	vand.u32 $0xFFFF0000, v15;
	v17 =	vmul.f32 v17, v6;
	[tilespmem:s7+$0xFFFFFEA0] =	vst v16  }
0x1a3: {  	v12 =	vmul.f32 v12, v9;
	v16 =	vand.u32 $0xFFFF0000, v18;
	v18 =	vld [tilespmem:s26+$0x50];
	[tilespmem:s7+$0xFFFFFEB0] =	vst v8  }
0x1a4: {  	v8 =	vmul.f32 v16, v6;
	v16 =	vshll.u32 v13, $0x10;
	[tilespmem:s7+$0xFFFFFF20] =	vst v17  }
0x1a5: {  	[tilespmem:s7+$0x1F0] =	vst v12;
	v12 =	vand.u32 $0xFFFF0000, v13;
	v13 =	vmul.f32 v16, v5;
	v16 =	vld [tilespmem:s26+$0x90]  }
0x1a6: {  	v17 =	vld [tilespmem:s9+$0xB0];
	v12 =	vmul.f32 v12, v5;
	v19 =	vshll.u32 v14, $0x10;
	[tilespmem:s7+$0xFFFFFF30] =	vst v8  }
0x1a7: {  	v8 =	vand.u32 $0xFFFF0000, v14;
	v14 =	vmul.f32 v19, v4;
	v19 =	vld [tilespmem:s26+$0xFFFFFF20];
	[tilespmem:s7+$0xFFFFFFA0] =	vst v13  }
0x1a8: {  	v8 =	vmul.f32 v8, v4;
	v13 =	vshll.u32 v18, $0x10;
	[tilespmem:s7+$0xFFFFFFB0] =	vst v12  }
0x1a9: {  	v12 =	vand.u32 $0xFFFF0000, v18;
	v18 =	vld [tilespmem:s26+$0xFFFFFF60];
	v13 =	vmul.f32 v13, v3;
	[tilespmem:s7+$0x20] =	vst v14  }
0x1aa: {  	v12 =	vmul.f32 v12, v3;
	[tilespmem:s7+$0x30] =	vst v8;
	v14 =	vshll.u32 v16, $0x10  }
0x1ab: {  	v15 =	vshll.u32 v15, $0x10;
	v8 =	vand.u32 $0xFFFF0000, v16;
	v16 =	vld [tilespmem:s26+$0xFFFFFFA0];
	v14 =	vmul.f32 v14, v2;
	[tilespmem:s7+$0xA0] =	vst v13  }
0x1ac: {  	v21 =	vld [tilespmem:s26+$0xFFFFFFE0];
	v13 =	vshll.u32 v17, $0x10;
	v20 =	vmul.f32 v8, v2;
	[tilespmem:s7+$0xB0] =	vst v12;
	v8 =	vshll.u32 v19, $0x10  }
0x1ad: {  	v12 =	vand.u32 $0xFFFF0000, v17;
	v17 =	vand.u32 $0xFFFF0000, v19;
	v19 =	vmul.f32 v8, v10;
	[tilespmem:s7+$0x120] =	vst v14  }
0x1ae: {  	v8 =	vmul.f32 v13, v7;
	v13 =	vmul.f32 v17, v10;
	v14 =	vshll.u32 v18, $0x10;
	v17 =	vld [tilespmem:s26+$0x20];
	[tilespmem:s7+$0x130] =	vst v20  }
0x1af: {  	v7 =	vmul.f32 v12, v7;
	v12 =	vand.u32 $0xFFFF0000, v18;
	v18 =	vld [tilespmem:s26+$0x60];
	v14 =	vmul.f32 v14, v11;
	[tilespmem:s7+$0xFFFFFE40] =	vst v19  }
0x1b0: {  	v12 =	vmul.f32 v12, v11;
	v19 =	vshll.u32 v16, $0x10;
	[tilespmem:s7+$0xFFFFFE50] =	vst v13;
	v13 =	vand.u32 $0xFFFF0000, v16;
	v16 =	vld [tilespmem:s26+$0xA0]  }
0x1b1: {  	v9 =	vmul.f32 v15, v9;
	v15 =	vmul.f32 v19, v6;
	[tilespmem:s7+$0xFFFFFEC0] =	vst v14;
	v14 =	vshll.u32 v21, $0x10  }
0x1b2: {  	v13 =	vmul.f32 v13, v6;
	v19 =	vand.u32 $0xFFFF0000, v21;
	v20 =	vld [tilespmem:s26+$0xFFFFFF30];
	[tilespmem:s7+$0xFFFFFED0] =	vst v12;
	v12 =	vmul.f32 v14, v5  }
0x1b3: {  	v14 =	vmul.f32 v19, v5;
	v19 =	vshll.u32 v17, $0x10;
	[tilespmem:s7+$0xFFFFFF40] =	vst v15;
	v15 =	vand.u32 $0xFFFF0000, v17  }
0x1b4: {  	v63 =	vld [tilespmem:s26+$0xFFFFFF70];
	[tilespmem:s7+$0xFFFFFF50] =	vst v13;
	v17 =	vmul.f32 v19, v4;
	v19 =	vshll.u32 v18, $0x10;
	v13 =	vmul.f32 v15, v4  }
0x1b5: {  	v15 =	vand.u32 $0xFFFF0000, v18;
	[tilespmem:s7+$0xFFFFFFC0] =	vst v12;
	v18 =	vmul.f32 v19, v3;
	v12 =	vshll.u32 v16, $0x10  }
0x1b6: {  	v22 =	vld [tilespmem:s26+$0xFFFFFFB0];
	[tilespmem:s7+$0xFFFFFFD0] =	vst v14;
	v23 =	vmul.f32 v15, v3;
	v15 =	vand.u32 $0xFFFF0000, v16;
	v16 =	vmul.f32 v12, v2  }
0x1b7: {  	v12 =	vmul.f32 v15, v2;
	v14 =	vshll.u32 v20, $0x10;
	[tilespmem:s7+$0x40] =	vst v17;
	v17 =	vand.u32 $0xFFFF0000, v20  }
0x1b8: {  	v15 =	vmul.f32 v14, v10;
	v14 =	vmul.f32 v17, v10;
	v17 =	vld [tilespmem:s26+$0xFFFFFFF0]  }
0x1b9: {  	[tilespmem:s7+$0x50] =	vst v13;
	v19 =	vshll.u32 v63, $0x10;
	v10 =	vand.u32 $0xFFFF0000, v63  }
0x1ba: {  	[tilespmem:s7+$0xC0] =	vst v18;
	v13 =	vmul.f32 v19, v11;
	v10 =	vmul.f32 v10, v11;
	v11 =	vld [tilespmem:s26+$0x30]  }
0x1bb: {  	s9 =	simm.s32 $0x9C80;
	[tilespmem:s7+$0xD0] =	vst v23;
	v19 =	vshll.u32 v22, $0x10;
	v18 =	vand.u32 $0xFFFF0000, v22  }
.LBB2_7:
0x1bc: {  	v19 =	vmul.f32 v19, v6;
	v6 =	vmul.f32 v18, v6;
	v18 =	vld [tilespmem:s26+$0x70];
	[tilespmem:s7+$0x140] =	vst v16;
	s10 =	smov.u32 s1;
	s1 =	sadd.s32 $0x8, s1  }
0x1bd: {  	s11 =	sand.u32 $0x30, s1;
	s12 =	sand.u32 $0x8, s1;
	v16 =	vshll.u32 v17, $0x10;
	v17 =	vand.u32 $0xFFFF0000, v17;
	[tilespmem:s7+$0x150] =	vst v12  }
0x1be: {  	v20 =	vld.idx.msk [tilespmem:v1+s11+$0x0 ss:$0x1], $0xffff;
	v21 =	vmov s12;
	[tilespmem:s7+$0xFFFFFE60] =	vst v15;
	v15 =	vmul.f32 v16, v5;
	v5 =	vmul.f32 v17, v5  }
0x1bf: {  	s6 =	sadd.s32 $0x8, s6;
	p1 =	slt.u32 s1, $0x38;
	[tilespmem:s7+$0xFFFFFE70] =	vst v14;
	v12 =	vshll.u32 v11, $0x10;
	v11 =	vand.u32 $0xFFFF0000, v11;
	v14 =	vld [tilespmem:s26+$0xB0];
	s26 =	sadd.s32 $0x200, s26  }
0x1c0: {  	s11 =	sand.u32 $0xFFFFFFF0, s6;
	v16 =	vld [tilespmem:s26+$0xC0];
	[tilespmem:s7+$0xFFFFFEE0] =	vst v13;
	v13 =	vmul.f32 v12, v4;
	v17 =	vmul.f32 v11, v4  }
0x1c1: {  	s12 =	ssub.s32 s1, s11;
	s10 =	ssub.s32 s10, s11;
	v4 =	vld [tilespmem:s26+$0xFFFFFF00];
	[tilespmem:s7+$0xFFFFFEF0] =	vst v10;
	v10 =	vshll.u32 v18, $0x10;
	v11 =	vand.u32 $0xFFFF0000, v18  }
0x1c2: {  	s11 =	sadd.s32 $0x1, s12;
	s13 =	sadd.s32 $0x2, s12;
	s14 =	sadd.s32 $0xF, s10;
	v18 =	vld [tilespmem:s26+$0xFFFFFF40];
	[tilespmem:s7+$0xFFFFFF60] =	vst v19;
	v19 =	vmul.f32 v10, v3;
	v22 =	vmul.f32 v11, v3  }
0x1c3: {  	v23 =	vmov s13;
	s13 =	sadd.s32 $0x5, s12;
	v3 =	vmov s11;
	s11 =	sadd.s32 $0xB, s10;
	s10 =	sadd.s32 $0xC, s10;
	v10 =	vmov s14;
	v24 =	vld [tilespmem:s26+$0xFFFFFF80]  }
0x1c4: {  	v25 =	vmov s11;
	v27 =	vmov s10;
	s10 =	sadd.s32 $0x6, s12;
	v12 =	vperm.xlane v20, v10;
	v26 =	vld [tilespmem:s26+$0xFFFFFFC0];
	[tilespmem:s7+$0xFFFFFF70] =	vst v6  }
0x1c5: {  	v29 =	vmov s13;
	v30 =	vmov s10;
	v28 =	vld [tilespmem:s26+$0x0];
	v6 =	vshll.u32 v16, $0x10;
	[tilespmem:s7+$0xFFFFFFE0] =	vst v15  }
0x1c6: {  	v11 =	vperm.xlane v20, v21;
	v16 =	vand.u32 $0xFFFF0000, v16;
	v15 =	vld [tilespmem:s26+$0x40];
	v21 =	vmul.f32 v6, v12;
	[tilespmem:s7+$0xFFFFFFF0] =	vst v5  }
0x1c7: {  	v10 =	vperm.xlane v20, v3;
	v31 =	vshll.u32 v4, $0x10;
	v16 =	vmul.f32 v16, v12;
	s7 =	sadd.s32 $0x400, s7;
	v32 =	vld [tilespmem:s26+$0x80];
	[tilespmem:s9+$0x60] =	vst v13  }
0x1c8: {  	v6 =	vperm.xlane v20, v23;
	v5 =	vperm.xlane v20, v25;
	v13 =	vand.u32 $0xFFFF0000, v4;
	[tilespmem:s7+$0x180] =	vst v21  }
0x1c9: {  	v3 =	vperm.xlane v20, v29;
	v4 =	vperm.xlane v20, v27;
	v21 =	vshll.u32 v18, $0x10;
	[tilespmem:s7+$0x190] =	vst v16  }
0x1ca: {  	v20 =	vperm.xlane v20, v30;
	v16 =	vand.u32 $0xFFFF0000, v18;
	v18 =	vshll.u32 v24, $0x10;
	v23 =	vld [tilespmem:s26+$0xD0];
	[tilespmem:s9+$0x70] =	vst v17  }
0x1cb: {  	v25 =	vand.u32 $0xFFFF0000, v26;
	v17 =	vand.u32 $0xFFFF0000, v24;
	v24 =	vshll.u32 v26, $0x10;
	[tilespmem:s9+$0xE0] =	vst v19  }
0x1cc: {  	v26 =	vand.u32 $0xFFFF0000, v28;
	v19 =	vshll.u32 v28, $0x10;
	v27 =	vshll.u32 v15, $0x10;
	[tilespmem:s9+$0xF0] =	vst v22  }
0x1cd: {  	v15 =	vand.u32 $0xFFFF0000, v15;
	v22 =	vshll.u32 v32, $0x10;
	v28 =	vand.u32 $0xFFFF0000, v32;
	[tilespmem:s25+$0x160] =	vst v8  }
0x1ce: {  	v29 =	vshll.u32 v14, $0x10;
	v13 =	vmul.f32 v13, v11;
	v8 =	vmul.f32 v31, v11;
	[tilespmem:s25+$0x170] =	vst v7;
	s25 =	smov.u32 s9;
	s9 =	smov.u32 s7  }
0x1cf: {  	v16 =	vmul.f32 v16, v10;
	v7 =	vmul.f32 v21, v10;
	v21 =	vshll.u32 v23, $0x10;
	[tilespmem:s25+$0x1E0] =	vst v9  }
0x1d0: {  	v9 =	vand.u32 $0xFFFF0000, v23;
	[tilespmem:s7+$0xFFFFFE00] =	vst v8;
	v8 =	vmul.f32 v18, v6;
	v18 =	vmul.f32 v21, v12  }
0x1d1: {  	v14 =	vand.u32 $0xFFFF0000, v14;
	v9 =	vmul.f32 v9, v12;
	[tilespmem:s7+$0xFFFFFE10] =	vst v13;
	v13 =	vmul.f32 v17, v6  }
0x1d2: {  	v23 =	vmul.f32 v25, v5;
	v21 =	vmul.f32 v24, v5;
	v17 =	vld [tilespmem:s26+$0xFFFFFF10];
	[tilespmem:s7+$0x1A0] =	vst v18  }
0x1d3: {  	v18 =	vmul.f32 v19, v4;
	v19 =	vmul.f32 v26, v4;
	[tilespmem:s7+$0x1B0] =	vst v9  }
0x1d4: {  	v15 =	vmul.f32 v15, v3;
	v9 =	vmul.f32 v27, v3;
	[tilespmem:s7+$0xFFFFFE80] =	vst v7;
	v24 =	vld [tilespmem:s26+$0xE0]  }
0x1d5: {  	[tilespmem:s7+$0xFFFFFE90] =	vst v16;
	v16 =	vmul.f32 v22, v20;
	v22 =	vmul.f32 v28, v20  }
0x1d6: {  	v7 =	vmul.f32 v14, v2;
	v25 =	vld [tilespmem:s26+$0xFFFFFF50];
	[tilespmem:s7+$0xFFFFFF00] =	vst v8;
	v8 =	vmul.f32 v29, v2;
	v2 =	vmov v20  }
0x1d7: {  	v14 =	vshll.u32 v17, $0x10;
	v17 =	vand.u32 $0xFFFF0000, v17;
	[tilespmem:s7+$0xFFFFFF10] =	vst v13  }
0x1d8: {  	v13 =	vmul.f32 v14, v11;
	v14 =	vmul.f32 v17, v11;
	v17 =	vld [tilespmem:s26+$0xFFFFFF90];
	[tilespmem:s7+$0xFFFFFF80] =	vst v21  }
0x1d9: {  	[tilespmem:s7+$0xFFFFFF90] =	vst v23;
	v20 =	vshll.u32 v24, $0x10  }
0x1da: {  	v21 =	vld [tilespmem:s26+$0xFFFFFFD0];
	[tilespmem:s7+$0x0] =	vst v18;
	v18 =	vand.u32 $0xFFFF0000, v24;
	v20 =	vmul.f32 v20, v12  }
0x1db: {  	v23 =	vshll.u32 v25, $0x10;
	v24 =	vand.u32 $0xFFFF0000, v25;
	[tilespmem:s7+$0x10] =	vst v19;
	v18 =	vmul.f32 v18, v12  }
0x1dc: {  	v19 =	vmul.f32 v23, v10;
	v23 =	vmul.f32 v24, v10;
	v24 =	vld [tilespmem:s26+$0x10];
	[tilespmem:s7+$0x1C0] =	vst v20  }
0x1dd: {  	v20 =	vshll.u32 v17, $0x10;
	v17 =	vand.u32 $0xFFFF0000, v17;
	[tilespmem:s7+$0x1D0] =	vst v18  }
0x1de: {  	v18 =	vmul.f32 v20, v6;
	v17 =	vmul.f32 v17, v6;
	[tilespmem:s7+$0x80] =	vst v9;
	v9 =	vld [tilespmem:s26+$0xF0]  }
0x1df: {  	v20 =	vshll.u32 v21, $0x10;
	v21 =	vand.u32 $0xFFFF0000, v21;
	[tilespmem:s7+$0x90] =	vst v15  }
0x1e0: {  	v15 =	vmul.f32 v20, v5;
	v20 =	vmul.f32 v21, v5;
	v21 =	vld [tilespmem:s26+$0x50];
	[tilespmem:s7+$0x100] =	vst v16  }
0x1e1: {  	v16 =	vshll.u32 v24, $0x10;
	v24 =	vand.u32 $0xFFFF0000, v24;
	[tilespmem:s7+$0x110] =	vst v22  }
0x1e2: {  	[tilespmem:s7+$0xFFFFFE20] =	vst v13;
	v13 =	vmul.f32 v16, v4;
	v16 =	vmul.f32 v24, v4;
	v22 =	vld [tilespmem:s26+$0x90]  }
0x1e3: {  	[tilespmem:s7+$0xFFFFFE30] =	vst v14;
	v14 =	vshll.u32 v9, $0x10;
	v24 =	vand.u32 $0xFFFF0000, v9  }
0x1e4: {  	v25 =	vld [tilespmem:s26+$0xFFFFFF20];
	[tilespmem:s7+$0xFFFFFEA0] =	vst v19;
	v9 =	vmul.f32 v14, v12;
	v12 =	vmul.f32 v24, v12  }
0x1e5: {  	[tilespmem:s7+$0xFFFFFEB0] =	vst v23;
	v14 =	vshll.u32 v21, $0x10;
	v19 =	vand.u32 $0xFFFF0000, v21  }
0x1e6: {  	v21 =	vld [tilespmem:s26+$0xFFFFFF60];
	v14 =	vmul.f32 v14, v3;
	v19 =	vmul.f32 v19, v3;
	[tilespmem:s7+$0x1F0] =	vst v12  }
0x1e7: {  	[tilespmem:s7+$0xFFFFFF20] =	vst v18;
	v12 =	vshll.u32 v22, $0x10;
	v18 =	vand.u32 $0xFFFF0000, v22  }
0x1e8: {  	[tilespmem:s7+$0xFFFFFF30] =	vst v17;
	v12 =	vmul.f32 v12, v2;
	v17 =	vmul.f32 v18, v2  }
0x1e9: {  	v18 =	vshll.u32 v25, $0x10;
	v22 =	vand.u32 $0xFFFF0000, v25;
	v23 =	vld [tilespmem:s26+$0xFFFFFFA0];
	[tilespmem:s7+$0xFFFFFFA0] =	vst v15  }
0x1ea: {  	v15 =	vmul.f32 v18, v11;
	v18 =	vmul.f32 v22, v11;
	[tilespmem:s7+$0xFFFFFFB0] =	vst v20  }
0x1eb: {  	v20 =	vshll.u32 v21, $0x10;
	v21 =	vand.u32 $0xFFFF0000, v21;
	v22 =	vld [tilespmem:s26+$0xFFFFFFE0];
	[tilespmem:s7+$0x20] =	vst v13  }
0x1ec: {  	v13 =	vmul.f32 v20, v10;
	v20 =	vmul.f32 v21, v10;
	[tilespmem:s7+$0x30] =	vst v16  }
0x1ed: {  	v16 =	vld [tilespmem:s26+$0x20];
	[tilespmem:s7+$0xA0] =	vst v14  }
0x1ee: {  	v14 =	vshll.u32 v23, $0x10;
	v21 =	vand.u32 $0xFFFF0000, v23;
	[tilespmem:s7+$0xB0] =	vst v19  }
0x1ef: {  	v14 =	vmul.f32 v14, v6;
	v19 =	vmul.f32 v21, v6;
	v21 =	vld [tilespmem:s26+$0x60];
	[tilespmem:s7+$0x120] =	vst v12  }
0x1f0: {  	v12 =	vshll.u32 v22, $0x10;
	v22 =	vand.u32 $0xFFFF0000, v22;
	[tilespmem:s7+$0x130] =	vst v17  }
0x1f1: {  	[tilespmem:s7+$0xFFFFFE40] =	vst v15;
	v12 =	vmul.f32 v12, v5;
	v15 =	vmul.f32 v22, v5;
	v17 =	vld [tilespmem:s26+$0xA0]  }
0x1f2: {  	[tilespmem:s7+$0xFFFFFE50] =	vst v18;
	v18 =	vshll.u32 v16, $0x10;
	v16 =	vand.u32 $0xFFFF0000, v16  }
0x1f3: {  	v22 =	vld [tilespmem:s26+$0xFFFFFF30];
	[tilespmem:s7+$0xFFFFFEC0] =	vst v13;
	v13 =	vmul.f32 v18, v4;
	v18 =	vmul.f32 v16, v4  }
0x1f4: {  	[tilespmem:s7+$0xFFFFFED0] =	vst v20;
	v16 =	vshll.u32 v21, $0x10;
	v20 =	vand.u32 $0xFFFF0000, v21  }
0x1f5: {  	v21 =	vld [tilespmem:s26+$0xFFFFFF70];
	[tilespmem:s7+$0xFFFFFF40] =	vst v14;
	v23 =	vmul.f32 v16, v3;
	v20 =	vmul.f32 v20, v3  }
0x1f6: {  	[tilespmem:s7+$0xFFFFFF50] =	vst v19;
	v14 =	vshll.u32 v17, $0x10;
	v17 =	vand.u32 $0xFFFF0000, v17  }
0x1f7: {  	v24 =	vld [tilespmem:s26+$0xFFFFFFB0];
	[tilespmem:s7+$0xFFFFFFC0] =	vst v12;
	v16 =	vmul.f32 v14, v2;
	v12 =	vmul.f32 v17, v2  }
.Ltmp2:
0x1f8: {  	v14 =	vshll.u32 v22, $0x10;
	v17 =	vand.u32 $0xFFFF0000, v22;
	[tilespmem:s7+$0xFFFFFFD0] =	vst v15;
	(pc) =	sbr.rel @p1 .LBB2_7-.Ltmp2, $4  }
0x1f9: {  	v15 =	vmul.f32 v14, v11;
	v14 =	vmul.f32 v17, v11;
	v17 =	vld [tilespmem:s26+$0xFFFFFFF0];
	[tilespmem:s7+$0x40] =	vst v13  }
0x1fa: {  	v11 =	vshll.u32 v21, $0x10;
	v19 =	vand.u32 $0xFFFF0000, v21;
	[tilespmem:s7+$0x50] =	vst v18  }
0x1fb: {  	v13 =	vmul.f32 v11, v10;
	v10 =	vmul.f32 v19, v10;
	v11 =	vld [tilespmem:s26+$0x30];
	[tilespmem:s7+$0xC0] =	vst v23  }
0x1fc: {  	v19 =	vshll.u32 v24, $0x10;
	v18 =	vand.u32 $0xFFFF0000, v24;
	[tilespmem:s7+$0xD0] =	vst v20  }
0x1fd: {  	[tilespmem:s7+$0x140] =	vst v16  }
0x1fe: {  	[tilespmem:s7+$0x150] =	vst v12  }
0x1ff: {  	[tilespmem:s7+$0xFFFFFE60] =	vst v15  }
0x200: {  	[tilespmem:s7+$0xFFFFFE70] =	vst v14  }
0x201: {  	[tilespmem:s7+$0xFFFFFEE0] =	vst v13  }
0x202: {  	[tilespmem:s7+$0xFFFFFEF0] =	vst v10  }
0x203: {  	v55 =	vld [tilespmem:s26+$0x70];
	[tilespmem:s25+$0x160] =	vst v8  }
0x204: {  	v1 =	vmul.f32 v19, v6;
	[tilespmem:s25+$0x170] =	vst v7  }
0x205: {  	v56 =	vmul.f32 v18, v6;
	[tilespmem:s9+$0x1E0] =	vst v9;
	v58 =	vand.u32 $0xFFFF0000, v17  }
0x206: {  	v57 =	vshll.u32 v17, $0x10;
	v61 =	vld [tilespmem:s26+$0xB0];
	[tilespmem:s7+$0xFFFFFF60] =	vst v1;
	v1 =	vmul.f32 v58, v5  }
0x207: {  	v13 =	vmul.f32 v57, v5;
	[tilespmem:s7+$0xFFFFFF70] =	vst v56;
	v59 =	vshll.u32 v11, $0x10  }
0x208: {  	v5 =	vmul.f32 v59, v4;
	[tilespmem:s7+$0xFFFFFFF0] =	vst v1;
	v1 =	vand.u32 $0xFFFF0000, v55  }
0x209: {  	v60 =	vand.u32 $0xFFFF0000, v11;
	[tilespmem:s7+$0xFFFFFFE0] =	vst v13;
	v1 =	vmul.f32 v1, v3  }
0x20a: {  	v62 =	vmul.f32 v60, v4;
	v63 =	vshll.u32 v55, $0x10;
	[tilespmem:s9+$0x60] =	vst v5  }
0x20b: {  	v6 =	vmul.f32 v63, v3;
	[tilespmem:s9+$0xF0] =	vst v1;
	v1 =	vshll.u32 v61, $0x10  }
0x20c: {  	[tilespmem:s9+$0x70] =	vst v62;
	v3 =	vand.u32 $0xFFFF0000, v61;
	v1 =	vmul.f32 v1, v2  }
0x20d: {  	[tilespmem:s9+$0xE0] =	vst v6;
	v2 =	vmul.f32 v3, v2  }
0x20e: {  	s1 =	sadd.s32 @!p0 $0xC0, s21;
	[tilespmem:s9+$0x160] =	vst v1  }
0x20f: {  	s6 =	simm.s32 @!p0 $0x40;
	s0 =	sadd.s32 $0x1, s0;
	s7 =	simm.s32 @!p0 $0x8680;
	[tilespmem:s9+$0x170] =	vst v2  }
0x210: {  	[tilespmem:s7], [sflag:$0x2] =	stream.indirect.gather @!p0 [hbm4b:s2+s6], $0x40, s1, s6, $0xb8;
	[tilespmem:$0x1F280] =	vst v63  }
0x211: {  	p0 =	sne.s32 s0, $0x4F  }
.Ltmp3:
0x212: {  	s26 =	sadd.s32 $0x2780, s22;
	(pc) =	sbr.rel @p0 .LBB2_4-.Ltmp3, $4  }
0x213: {  	[spmem:s3] =	stream.indirect.scatter.add.f32 [tilespmem:s23], [sflag:$0x3], $0x80, s26, s24, $0xb8;
	[tilespmem:$0x1F280] =	vst v63  }
0x214: {  	_ =	swait.ge [sflag:s20], $0x2000  }
0x215: {  	[sflag:s20] =	ssyncset.done $0x0  }
0x216: {  	[sflag:s20] =	ssyncadd.s32 $0xFFFFE000  }
0x217: {  	s0 =	stileid.u32;
	s30 =	sadd.s32 $0x1, s30  }
0x218: {  	[bflag:$0x0] =	sbarrier.arrive $0xFFFF;
	s0 =	sshll.u32 s0, $0x6;
	p0 =	sne.s32 s30, s19  }
.Ltmp4:
0x219: {  	s1 =	sshrl.u32 s8, $0x3;
	s0 =	sor.u32 $0x1C03, s0;
	(pc) =	sbr.rel @p0 .LBB2_1-.Ltmp4, $4  }
0x21a: {  	[hbm:s18], [sflag:s0] =	dma.local [spmem:s1], $0x2780  }
0x21b: {  	_ =	swait.ge [sflag:s20], $0x2780  }
0x21c: {  	[sflag:s20] =	ssyncset.done $0x0  }
0x21d: {  	[sflag:s20] =	ssyncadd.s32 $0xFFFFD880  }
0x21e: {  	_ =	sfence.sel $0x180000  }
0x21f: {  	[bflag:$0x0] =	sbarrier.arrive $0xFFFF  }
0x220: {  	_ =	strace $0x90000047  }
0x221: {  	s0 =	stileid.u32;
	[bflag:$0x2] =	sbarrier.arrive $0xFFFF  }
0x222: {  	p0 =	sne.s32 s0, $0x0;
	s0 =	rddreg [dreg:$0x3]  }
0x223: {  	s0 =	sadd.s32 @!p0 $0x100000, s0  }
0x224: {  	[sflag:s0] =	ssyncadd.tile.s32 @!p0 $0x1;
	_ =	shalt  }
.Lfunc_end2:
_tile_overlayer_lowered:
.L_overlay_start_2:
0x225: {  	(tag) =	ssettag $0x2  }
0x226: {  	s0 =	rddreg [dreg:$0x0];
	s2 =	stileid.u32  }
0x227: {  	s1 =	rddreg [dreg:$0x1];
	p0 =	sne.s32 s2, $0x0  }
0x228: {  	s3 =	rddreg [dreg:$0x2];
	[bflag:$0x3] =	sbarrier.arrive $0xFFFF;
	s2 =	simm.s32 @!p0 $0x1C03  }
0x229: {  	[timem:s3], [sflag:s2] =	dma.local @!p0 [hbm:s0], s1  }
0x22a: {  	s0 =	simm.s32 @!p0 $0x3  }
0x22b: {  	_ =	swait.ge @!p0 [sflag:s0], s1  }
0x22c: {  	s1 =	ssub.s32 @!p0 $0x0, s1;
	[sflag:s0] =	ssyncset.done @!p0 $0x0  }
0x22d: {  	[sflag:s0] =	ssyncadd.s32 @!p0 s1  }
0x22e: {  	[bflag:$0x3] =	sbarrier.arrive $0xFFFF  }
0x22f: {  	_ =	shalt  }

</sc_bundles>
